<compile_context>
chip_gen: v7x
topology: tpu7x:2x2x1
jax: 0.10.2.dev20260603
libtpu: 0.0.44.dev20260713+nightly
codegen_flags: <defaults>
</compile_context>

<pallas_src>
import functools

import jax
import jax.numpy as jnp
from jax import lax
from jax.experimental import pallas as pl
from jax.experimental.pallas import tpu as pltpu
from jax.experimental.pallas import tpu_sc as plsc

_BM = 2048
_CHUNK = 32


def _copy_body(x_ref, o_ref):
    o_ref[...] = x_ref[...]


def _tc_copy(x):
    m, n = x.shape
    return pl.pallas_call(
        _copy_body,
        grid=(m // _BM,),
        in_specs=[pl.BlockSpec((_BM, n), lambda i: (i, 0))],
        out_specs=pl.BlockSpec((_BM, n), lambda i: (i, 0)),
        out_shape=jax.ShapeDtypeStruct((m, n), x.dtype),
    )(x)


def _sc_copy(x):
    m, n = x.shape
    info = plsc.get_sparse_core_info()
    nc, ns = info.num_cores, info.num_subcores
    nw = nc * ns
    rows_per = m // nw
    n_chunks = rows_per // _CHUNK
    mesh = plsc.VectorSubcoreMesh(core_axis_name="c", subcore_axis_name="s")

    @functools.partial(
        pl.kernel,
        mesh=mesh,
        out_type=jax.ShapeDtypeStruct((m, n), x.dtype),
        scratch_types=[
            pltpu.VMEM((_CHUNK, n), x.dtype),
            pltpu.VMEM((_CHUNK, n), x.dtype),
            pltpu.SemaphoreType.DMA,
            pltpu.SemaphoreType.DMA,
            pltpu.SemaphoreType.DMA,
            pltpu.SemaphoreType.DMA,
        ],
    )
    def k(x_hbm, out_hbm, buf0, buf1, r0, r1, w0, w1):
        wid = lax.axis_index("s") * nc + lax.axis_index("c")
        base = wid * rows_per
        bufs = (buf0, buf1)
        rsems = (r0, r1)
        wsems = (w0, w1)

        def rd(i):
            b = i % 2
            pltpu.async_copy(
                x_hbm.at[pl.ds(base + i * _CHUNK, _CHUNK)], bufs[b], rsems[b]
            )

        def wr(i):
            b = i % 2
            pltpu.async_copy(
                bufs[b], out_hbm.at[pl.ds(base + i * _CHUNK, _CHUNK)], wsems[b]
            )

        rd(0)
        for i in range(n_chunks):
            b = i % 2
            if i + 1 < n_chunks:
                if i >= 1:
                    pltpu.make_async_copy(
                        bufs[1 - b],
                        out_hbm.at[pl.ds(base + (i - 1) * _CHUNK, _CHUNK)],
                        wsems[1 - b],
                    ).wait()
                rd(i + 1)
            pltpu.make_async_copy(
                x_hbm.at[pl.ds(base + i * _CHUNK, _CHUNK)], bufs[b], rsems[b]
            ).wait()
            wr(i)
        for i in (n_chunks - 2, n_chunks - 1):
            b = i % 2
            pltpu.make_async_copy(
                bufs[b],
                out_hbm.at[pl.ds(base + i * _CHUNK, _CHUNK)],
                wsems[b],
            ).wait()

    return k(x)


def kernel(x):
    return (_tc_copy(x), _sc_copy(x))

# --- scband reference (transcript-rebuilt; emitter-appended) ---
"""Pipeline reference for scband-all-gather-82179904242332 (READ-ONLY COPY).

The authoritative reference and input builder live on the scoring server;
editing this copy changes nothing except your own understanding.
"""

import jax, jax.numpy as jnp
import numpy as np

# AllGather module in the single-process (non-distributed) case:
# torch.distributed is not initialized, so forward(x) returns (x, None).
# This is a pure pass-through of the ragged token tensor.

def setup_inputs(seed: int = 0) -> dict:
    key = jax.random.key(seed)
    x = jax.random.normal(key, (32768, 1024), dtype=jnp.float32)
    return {"x": x}

def reference(x):
    # Faithful single-rank translation: is_distributed is False, so the
    # module returns the input unchanged (sizes is None and omitted here
    # since the harness compares array outputs).
    return x

if __name__ == "__main__":
    import jax
    _d = setup_inputs()
    print(jax.jit(kernel)(*tuple(_d.values())))

</pallas_src>

<mosaic_0001>
#map = affine_map<(d0, d1) -> (0, 0)>
module attributes {stable_mosaic.version = 14 : i64} {
  func.func @k(%arg0: i32, %arg1: i32, %arg2: memref<32768x1024xf32, #tpu.memory_space<hbm>>, %arg3: memref<32768x1024xf32, #tpu.memory_space<hbm>>, %arg4: memref<32x1024xf32, #tpu.memory_space<vmem>>, %arg5: memref<32x1024xf32, #tpu.memory_space<vmem>>, %arg6: memref<!tpu.dma_semaphore, #tpu.memory_space<semaphore_mem>>, %arg7: memref<!tpu.dma_semaphore, #tpu.memory_space<semaphore_mem>>, %arg8: memref<!tpu.dma_semaphore, #tpu.memory_space<semaphore_mem>>, %arg9: memref<!tpu.dma_semaphore, #tpu.memory_space<semaphore_mem>>) attributes {dimension_semantics = [#tpu.dimension_semantics<core_parallel>, #tpu.dimension_semantics<subcore_parallel>], iteration_bounds = array<i64: 2, 16>, scalar_prefetch = 0 : i64, scratch_operands = 6 : i64, tpu.core_type = #tpu.core_type<sc_vector_subcore>, window_params = [{transform_indices = #map}, {transform_indices = #map}]} {
    %mul3A = arith.constant 2 : i32
    %mul3A_0 = arith.muli %arg1, %mul3A : i32
    %add3A = arith.addi %mul3A_0, %arg0 : i32
    %mul3A_1 = arith.constant 1024 : i32
    %mul3A_2 = arith.muli %add3A, %mul3A_1 : i32
    %add3A_3 = arith.constant 0 : i32
    %add3A_4 = arith.addi %mul3A_2, %add3A_3 : i32
    %dma_start3A = arith.constant 0 : i32
    %dma_start3A_5 = tpu.memref_slice %arg2[%add3A_4, %dma_start3A] : memref<32768x1024xf32, #tpu.memory_space<hbm>> -> memref<32x1024xf32, #tpu.memory_space<hbm>>
    %dma_start3A_6 = arith.constant 0 : i32
    %dma_start3A_7 = tpu.memref_slice %arg2[%add3A_4, %dma_start3A_6] : memref<32768x1024xf32, #tpu.memory_space<hbm>> -> memref<32x1024xf32, #tpu.memory_space<hbm>>
    tpu.enqueue_dma source(%dma_start3A_7 : memref<32x1024xf32, #tpu.memory_space<hbm>>) target(%arg4 : memref<32x1024xf32, #tpu.memory_space<vmem>>) target_semaphore(%arg6 : memref<!tpu.dma_semaphore, #tpu.memory_space<semaphore_mem>>)
    %add3A_8 = arith.constant 32 : i32
    %add3A_9 = arith.addi %mul3A_2, %add3A_8 : i32
    %dma_start3A_10 = arith.constant 0 : i32
    %dma_start3A_11 = tpu.memref_slice %arg2[%add3A_9, %dma_start3A_10] : memref<32768x1024xf32, #tpu.memory_space<hbm>> -> memref<32x1024xf32, #tpu.memory_space<hbm>>
    %dma_start3A_12 = arith.constant 0 : i32
    %dma_start3A_13 = tpu.memref_slice %arg2[%add3A_9, %dma_start3A_12] : memref<32768x1024xf32, #tpu.memory_space<hbm>> -> memref<32x1024xf32, #tpu.memory_space<hbm>>
    tpu.enqueue_dma source(%dma_start3A_13 : memref<32x1024xf32, #tpu.memory_space<hbm>>) target(%arg5 : memref<32x1024xf32, #tpu.memory_space<vmem>>) target_semaphore(%arg7 : memref<!tpu.dma_semaphore, #tpu.memory_space<semaphore_mem>>)
    %add3A_14 = arith.constant 0 : i32
    %add3A_15 = arith.addi %mul3A_2, %add3A_14 : i32
    %dma_wait3A = arith.constant 0 : i32
    %dma_wait3A_16 = tpu.memref_slice %arg2[%add3A_15, %dma_wait3A] : memref<32768x1024xf32, #tpu.memory_space<hbm>> -> memref<32x1024xf32, #tpu.memory_space<hbm>>
    %dma_wait3A_17 = arith.constant 0 : i32
    %dma_wait3A_18 = tpu.memref_slice %arg2[%add3A_15, %dma_wait3A_17] : memref<32768x1024xf32, #tpu.memory_space<hbm>> -> memref<32x1024xf32, #tpu.memory_space<hbm>>
    tpu.wait_dma2 semaphore(%arg6 : memref<!tpu.dma_semaphore, #tpu.memory_space<semaphore_mem>>) src(%dma_wait3A_18 : memref<32x1024xf32, #tpu.memory_space<hbm>>) dst(%arg4 : memref<32x1024xf32, #tpu.memory_space<vmem>>)
    %add3A_19 = arith.constant 0 : i32
    %add3A_20 = arith.addi %mul3A_2, %add3A_19 : i32
    %dma_start3A_21 = arith.constant 0 : i32
    %dma_start3A_22 = tpu.memref_slice %arg3[%add3A_20, %dma_start3A_21] : memref<32768x1024xf32, #tpu.memory_space<hbm>> -> memref<32x1024xf32, #tpu.memory_space<hbm>>
    %dma_start3A_23 = arith.constant 0 : i32
    %dma_start3A_24 = tpu.memref_slice %arg3[%add3A_20, %dma_start3A_23] : memref<32768x1024xf32, #tpu.memory_space<hbm>> -> memref<32x1024xf32, #tpu.memory_space<hbm>>
    tpu.enqueue_dma source(%arg4 : memref<32x1024xf32, #tpu.memory_space<vmem>>) target(%dma_start3A_24 : memref<32x1024xf32, #tpu.memory_space<hbm>>) target_semaphore(%arg8 : memref<!tpu.dma_semaphore, #tpu.memory_space<semaphore_mem>>)
    %add3A_25 = arith.constant 0 : i32
    %add3A_26 = arith.addi %mul3A_2, %add3A_25 : i32
    %dma_wait3A_27 = arith.constant 0 : i32
    %dma_wait3A_28 = tpu.memref_slice %arg3[%add3A_26, %dma_wait3A_27] : memref<32768x1024xf32, #tpu.memory_space<hbm>> -> memref<32x1024xf32, #tpu.memory_space<hbm>>
    %dma_wait3A_29 = arith.constant 0 : i32
    %dma_wait3A_30 = tpu.memref_slice %arg3[%add3A_26, %dma_wait3A_29] : memref<32768x1024xf32, #tpu.memory_space<hbm>> -> memref<32x1024xf32, #tpu.memory_space<hbm>>
    tpu.wait_dma2 semaphore(%arg8 : memref<!tpu.dma_semaphore, #tpu.memory_space<semaphore_mem>>) src(%arg4 : memref<32x1024xf32, #tpu.memory_space<vmem>>) dst(%dma_wait3A_30 : memref<32x1024xf32, #tpu.memory_space<hbm>>)
    %add3A_31 = arith.constant 64 : i32
    %add3A_32 = arith.addi %mul3A_2, %add3A_31 : i32
    %dma_start3A_33 = arith.constant 0 : i32
    %dma_start3A_34 = tpu.memref_slice %arg2[%add3A_32, %dma_start3A_33] : memref<32768x1024xf32, #tpu.memory_space<hbm>> -> memref<32x1024xf32, #tpu.memory_space<hbm>>
    %dma_start3A_35 = arith.constant 0 : i32
    %dma_start3A_36 = tpu.memref_slice %arg2[%add3A_32, %dma_start3A_35] : memref<32768x1024xf32, #tpu.memory_space<hbm>> -> memref<32x1024xf32, #tpu.memory_space<hbm>>
    tpu.enqueue_dma source(%dma_start3A_36 : memref<32x1024xf32, #tpu.memory_space<hbm>>) target(%arg4 : memref<32x1024xf32, #tpu.memory_space<vmem>>) target_semaphore(%arg6 : memref<!tpu.dma_semaphore, #tpu.memory_space<semaphore_mem>>)
    %add3A_37 = arith.constant 32 : i32
    %add3A_38 = arith.addi %mul3A_2, %add3A_37 : i32
    %dma_wait3A_39 = arith.constant 0 : i32
    %dma_wait3A_40 = tpu.memref_slice %arg2[%add3A_38, %dma_wait3A_39] : memref<32768x1024xf32, #tpu.memory_space<hbm>> -> memref<32x1024xf32, #tpu.memory_space<hbm>>
    %dma_wait3A_41 = arith.constant 0 : i32
    %dma_wait3A_42 = tpu.memref_slice %arg2[%add3A_38, %dma_wait3A_41] : memref<32768x1024xf32, #tpu.memory_space<hbm>> -> memref<32x1024xf32, #tpu.memory_space<hbm>>
    tpu.wait_dma2 semaphore(%arg7 : memref<!tpu.dma_semaphore, #tpu.memory_space<semaphore_mem>>) src(%dma_wait3A_42 : memref<32x1024xf32, #tpu.memory_space<hbm>>) dst(%arg5 : memref<32x1024xf32, #tpu.memory_space<vmem>>)
    %add3A_43 = arith.constant 32 : i32
    %add3A_44 = arith.addi %mul3A_2, %add3A_43 : i32
    %dma_start3A_45 = arith.constant 0 : i32
    %dma_start3A_46 = tpu.memref_slice %arg3[%add3A_44, %dma_start3A_45] : memref<32768x1024xf32, #tpu.memory_space<hbm>> -> memref<32x1024xf32, #tpu.memory_space<hbm>>
    %dma_start3A_47 = arith.constant 0 : i32
    %dma_start3A_48 = tpu.memref_slice %arg3[%add3A_44, %dma_start3A_47] : memref<32768x1024xf32, #tpu.memory_space<hbm>> -> memref<32x1024xf32, #tpu.memory_space<hbm>>
    tpu.enqueue_dma source(%arg5 : memref<32x1024xf32, #tpu.memory_space<vmem>>) target(%dma_start3A_48 : memref<32x1024xf32, #tpu.memory_space<hbm>>) target_semaphore(%arg9 : memref<!tpu.dma_semaphore, #tpu.memory_space<semaphore_mem>>)
    %add3A_49 = arith.constant 32 : i32
    %add3A_50 = arith.addi %mul3A_2, %add3A_49 : i32
    %dma_wait3A_51 = arith.constant 0 : i32
    %dma_wait3A_52 = tpu.memref_slice %arg3[%add3A_50, %dma_wait3A_51] : memref<32768x1024xf32, #tpu.memory_space<hbm>> -> memref<32x1024xf32, #tpu.memory_space<hbm>>
    %dma_wait3A_53 = arith.constant 0 : i32
    %dma_wait3A_54 = tpu.memref_slice %arg3[%add3A_50, %dma_wait3A_53] : memref<32768x1024xf32, #tpu.memory_space<hbm>> -> memref<32x1024xf32, #tpu.memory_space<hbm>>
    tpu.wait_dma2 semaphore(%arg9 : memref<!tpu.dma_semaphore, #tpu.memory_space<semaphore_mem>>) src(%arg5 : memref<32x1024xf32, #tpu.memory_space<vmem>>) dst(%dma_wait3A_54 : memref<32x1024xf32, #tpu.memory_space<hbm>>)
    %add3A_55 = arith.constant 96 : i32
    %add3A_56 = arith.addi %mul3A_2, %add3A_55 : i32
    %dma_start3A_57 = arith.constant 0 : i32
    %dma_start3A_58 = tpu.memref_slice %arg2[%add3A_56, %dma_start3A_57] : memref<32768x1024xf32, #tpu.memory_space<hbm>> -> memref<32x1024xf32, #tpu.memory_space<hbm>>
    %dma_start3A_59 = arith.constant 0 : i32
    %dma_start3A_60 = tpu.memref_slice %arg2[%add3A_56, %dma_start3A_59] : memref<32768x1024xf32, #tpu.memory_space<hbm>> -> memref<32x1024xf32, #tpu.memory_space<hbm>>
    tpu.enqueue_dma source(%dma_start3A_60 : memref<32x1024xf32, #tpu.memory_space<hbm>>) target(%arg5 : memref<32x1024xf32, #tpu.memory_space<vmem>>) target_semaphore(%arg7 : memref<!tpu.dma_semaphore, #tpu.memory_space<semaphore_mem>>)
    %add3A_61 = arith.constant 64 : i32
    %add3A_62 = arith.addi %mul3A_2, %add3A_61 : i32
    %dma_wait3A_63 = arith.constant 0 : i32
    %dma_wait3A_64 = tpu.memref_slice %arg2[%add3A_62, %dma_wait3A_63] : memref<32768x1024xf32, #tpu.memory_space<hbm>> -> memref<32x1024xf32, #tpu.memory_space<hbm>>
    %dma_wait3A_65 = arith.constant 0 : i32
    %dma_wait3A_66 = tpu.memref_slice %arg2[%add3A_62, %dma_wait3A_65] : memref<32768x1024xf32, #tpu.memory_space<hbm>> -> memref<32x1024xf32, #tpu.memory_space<hbm>>
    tpu.wait_dma2 semaphore(%arg6 : memref<!tpu.dma_semaphore, #tpu.memory_space<semaphore_mem>>) src(%dma_wait3A_66 : memref<32x1024xf32, #tpu.memory_space<hbm>>) dst(%arg4 : memref<32x1024xf32, #tpu.memory_space<vmem>>)
    %add3A_67 = arith.constant 64 : i32
    %add3A_68 = arith.addi %mul3A_2, %add3A_67 : i32
    %dma_start3A_69 = arith.constant 0 : i32
    %dma_start3A_70 = tpu.memref_slice %arg3[%add3A_68, %dma_start3A_69] : memref<32768x1024xf32, #tpu.memory_space<hbm>> -> memref<32x1024xf32, #tpu.memory_space<hbm>>
    %dma_start3A_71 = arith.constant 0 : i32
    %dma_start3A_72 = tpu.memref_slice %arg3[%add3A_68, %dma_start3A_71] : memref<32768x1024xf32, #tpu.memory_space<hbm>> -> memref<32x1024xf32, #tpu.memory_space<hbm>>
    tpu.enqueue_dma source(%arg4 : memref<32x1024xf32, #tpu.memory_space<vmem>>) target(%dma_start3A_72 : memref<32x1024xf32, #tpu.memory_space<hbm>>) target_semaphore(%arg8 : memref<!tpu.dma_semaphore, #tpu.memory_space<semaphore_mem>>)
    %add3A_73 = arith.constant 64 : i32
    %add3A_74 = arith.addi %mul3A_2, %add3A_73 : i32
    %dma_wait3A_75 = arith.constant 0 : i32
    %dma_wait3A_76 = tpu.memref_slice %arg3[%add3A_74, %dma_wait3A_75] : memref<32768x1024xf32, #tpu.memory_space<hbm>> -> memref<32x1024xf32, #tpu.memory_space<hbm>>
    %dma_wait3A_77 = arith.constant 0 : i32
    %dma_wait3A_78 = tpu.memref_slice %arg3[%add3A_74, %dma_wait3A_77] : memref<32768x1024xf32, #tpu.memory_space<hbm>> -> memref<32x1024xf32, #tpu.memory_space<hbm>>
    tpu.wait_dma2 semaphore(%arg8 : memref<!tpu.dma_semaphore, #tpu.memory_space<semaphore_mem>>) src(%arg4 : memref<32x1024xf32, #tpu.memory_space<vmem>>) dst(%dma_wait3A_78 : memref<32x1024xf32, #tpu.memory_space<hbm>>)
    %add3A_79 = arith.constant 128 : i32
    %add3A_80 = arith.addi %mul3A_2, %add3A_79 : i32
    %dma_start3A_81 = arith.constant 0 : i32
    %dma_start3A_82 = tpu.memref_slice %arg2[%add3A_80, %dma_start3A_81] : memref<32768x1024xf32, #tpu.memory_space<hbm>> -> memref<32x1024xf32, #tpu.memory_space<hbm>>
    %dma_start3A_83 = arith.constant 0 : i32
    %dma_start3A_84 = tpu.memref_slice %arg2[%add3A_80, %dma_start3A_83] : memref<32768x1024xf32, #tpu.memory_space<hbm>> -> memref<32x1024xf32, #tpu.memory_space<hbm>>
    tpu.enqueue_dma source(%dma_start3A_84 : memref<32x1024xf32, #tpu.memory_space<hbm>>) target(%arg4 : memref<32x1024xf32, #tpu.memory_space<vmem>>) target_semaphore(%arg6 : memref<!tpu.dma_semaphore, #tpu.memory_space<semaphore_mem>>)
    %add3A_85 = arith.constant 96 : i32
    %add3A_86 = arith.addi %mul3A_2, %add3A_85 : i32
    %dma_wait3A_87 = arith.constant 0 : i32
    %dma_wait3A_88 = tpu.memref_slice %arg2[%add3A_86, %dma_wait3A_87] : memref<32768x1024xf32, #tpu.memory_space<hbm>> -> memref<32x1024xf32, #tpu.memory_space<hbm>>
    %dma_wait3A_89 = arith.constant 0 : i32
    %dma_wait3A_90 = tpu.memref_slice %arg2[%add3A_86, %dma_wait3A_89] : memref<32768x1024xf32, #tpu.memory_space<hbm>> -> memref<32x1024xf32, #tpu.memory_space<hbm>>
    tpu.wait_dma2 semaphore(%arg7 : memref<!tpu.dma_semaphore, #tpu.memory_space<semaphore_mem>>) src(%dma_wait3A_90 : memref<32x1024xf32, #tpu.memory_space<hbm>>) dst(%arg5 : memref<32x1024xf32, #tpu.memory_space<vmem>>)
    %add3A_91 = arith.constant 96 : i32
    %add3A_92 = arith.addi %mul3A_2, %add3A_91 : i32
    %dma_start3A_93 = arith.constant 0 : i32
    %dma_start3A_94 = tpu.memref_slice %arg3[%add3A_92, %dma_start3A_93] : memref<32768x1024xf32, #tpu.memory_space<hbm>> -> memref<32x1024xf32, #tpu.memory_space<hbm>>
    %dma_start3A_95 = arith.constant 0 : i32
    %dma_start3A_96 = tpu.memref_slice %arg3[%add3A_92, %dma_start3A_95] : memref<32768x1024xf32, #tpu.memory_space<hbm>> -> memref<32x1024xf32, #tpu.memory_space<hbm>>
    tpu.enqueue_dma source(%arg5 : memref<32x1024xf32, #tpu.memory_space<vmem>>) target(%dma_start3A_96 : memref<32x1024xf32, #tpu.memory_space<hbm>>) target_semaphore(%arg9 : memref<!tpu.dma_semaphore, #tpu.memory_space<semaphore_mem>>)
    %add3A_97 = arith.constant 96 : i32
    %add3A_98 = arith.addi %mul3A_2, %add3A_97 : i32
    %dma_wait3A_99 = arith.constant 0 : i32
    %dma_wait3A_100 = tpu.memref_slice %arg3[%add3A_98, %dma_wait3A_99] : memref<32768x1024xf32, #tpu.memory_space<hbm>> -> memref<32x1024xf32, #tpu.memory_space<hbm>>
    %dma_wait3A_101 = arith.constant 0 : i32
    %dma_wait3A_102 = tpu.memref_slice %arg3[%add3A_98, %dma_wait3A_101] : memref<32768x1024xf32, #tpu.memory_space<hbm>> -> memref<32x1024xf32, #tpu.memory_space<hbm>>
    tpu.wait_dma2 semaphore(%arg9 : memref<!tpu.dma_semaphore, #tpu.memory_space<semaphore_mem>>) src(%arg5 : memref<32x1024xf32, #tpu.memory_space<vmem>>) dst(%dma_wait3A_102 : memref<32x1024xf32, #tpu.memory_space<hbm>>)
    %add3A_103 = arith.constant 160 : i32
    %add3A_104 = arith.addi %mul3A_2, %add3A_103 : i32
    %dma_start3A_105 = arith.constant 0 : i32
    %dma_start3A_106 = tpu.memref_slice %arg2[%add3A_104, %dma_start3A_105] : memref<32768x1024xf32, #tpu.memory_space<hbm>> -> memref<32x1024xf32, #tpu.memory_space<hbm>>
    %dma_start3A_107 = arith.constant 0 : i32
    %dma_start3A_108 = tpu.memref_slice %arg2[%add3A_104, %dma_start3A_107] : memref<32768x1024xf32, #tpu.memory_space<hbm>> -> memref<32x1024xf32, #tpu.memory_space<hbm>>
    tpu.enqueue_dma source(%dma_start3A_108 : memref<32x1024xf32, #tpu.memory_space<hbm>>) target(%arg5 : memref<32x1024xf32, #tpu.memory_space<vmem>>) target_semaphore(%arg7 : memref<!tpu.dma_semaphore, #tpu.memory_space<semaphore_mem>>)
    %add3A_109 = arith.constant 128 : i32
    %add3A_110 = arith.addi %mul3A_2, %add3A_109 : i32
    %dma_wait3A_111 = arith.constant 0 : i32
    %dma_wait3A_112 = tpu.memref_slice %arg2[%add3A_110, %dma_wait3A_111] : memref<32768x1024xf32, #tpu.memory_space<hbm>> -> memref<32x1024xf32, #tpu.memory_space<hbm>>
    %dma_wait3A_113 = arith.constant 0 : i32
    %dma_wait3A_114 = tpu.memref_slice %arg2[%add3A_110, %dma_wait3A_113] : memref<32768x1024xf32, #tpu.memory_space<hbm>> -> memref<32x1024xf32, #tpu.memory_space<hbm>>
    tpu.wait_dma2 semaphore(%arg6 : memref<!tpu.dma_semaphore, #tpu.memory_space<semaphore_mem>>) src(%dma_wait3A_114 : memref<32x1024xf32, #tpu.memory_space<hbm>>) dst(%arg4 : memref<32x1024xf32, #tpu.memory_space<vmem>>)
    %add3A_115 = arith.constant 128 : i32
    %add3A_116 = arith.addi %mul3A_2, %add3A_115 : i32
    %dma_start3A_117 = arith.constant 0 : i32
    %dma_start3A_118 = tpu.memref_slice %arg3[%add3A_116, %dma_start3A_117] : memref<32768x1024xf32, #tpu.memory_space<hbm>> -> memref<32x1024xf32, #tpu.memory_space<hbm>>
    %dma_start3A_119 = arith.constant 0 : i32
    %dma_start3A_120 = tpu.memref_slice %arg3[%add3A_116, %dma_start3A_119] : memref<32768x1024xf32, #tpu.memory_space<hbm>> -> memref<32x1024xf32, #tpu.memory_space<hbm>>
    tpu.enqueue_dma source(%arg4 : memref<32x1024xf32, #tpu.memory_space<vmem>>) target(%dma_start3A_120 : memref<32x1024xf32, #tpu.memory_space<hbm>>) target_semaphore(%arg8 : memref<!tpu.dma_semaphore, #tpu.memory_space<semaphore_mem>>)
    %add3A_121 = arith.constant 128 : i32
    %add3A_122 = arith.addi %mul3A_2, %add3A_121 : i32
    %dma_wait3A_123 = arith.constant 0 : i32
    %dma_wait3A_124 = tpu.memref_slice %arg3[%add3A_122, %dma_wait3A_123] : memref<32768x1024xf32, #tpu.memory_space<hbm>> -> memref<32x1024xf32, #tpu.memory_space<hbm>>
    %dma_wait3A_125 = arith.constant 0 : i32
    %dma_wait3A_126 = tpu.memref_slice %arg3[%add3A_122, %dma_wait3A_125] : memref<32768x1024xf32, #tpu.memory_space<hbm>> -> memref<32x1024xf32, #tpu.memory_space<hbm>>
    tpu.wait_dma2 semaphore(%arg8 : memref<!tpu.dma_semaphore, #tpu.memory_space<semaphore_mem>>) src(%arg4 : memref<32x1024xf32, #tpu.memory_space<vmem>>) dst(%dma_wait3A_126 : memref<32x1024xf32, #tpu.memory_space<hbm>>)
    %add3A_127 = arith.constant 192 : i32
    %add3A_128 = arith.addi %mul3A_2, %add3A_127 : i32
    %dma_start3A_129 = arith.constant 0 : i32
    %dma_start3A_130 = tpu.memref_slice %arg2[%add3A_128, %dma_start3A_129] : memref<32768x1024xf32, #tpu.memory_space<hbm>> -> memref<32x1024xf32, #tpu.memory_space<hbm>>
    %dma_start3A_131 = arith.constant 0 : i32
    %dma_start3A_132 = tpu.memref_slice %arg2[%add3A_128, %dma_start3A_131] : memref<32768x1024xf32, #tpu.memory_space<hbm>> -> memref<32x1024xf32, #tpu.memory_space<hbm>>
    tpu.enqueue_dma source(%dma_start3A_132 : memref<32x1024xf32, #tpu.memory_space<hbm>>) target(%arg4 : memref<32x1024xf32, #tpu.memory_space<vmem>>) target_semaphore(%arg6 : memref<!tpu.dma_semaphore, #tpu.memory_space<semaphore_mem>>)
    %add3A_133 = arith.constant 160 : i32
    %add3A_134 = arith.addi %mul3A_2, %add3A_133 : i32
    %dma_wait3A_135 = arith.constant 0 : i32
    %dma_wait3A_136 = tpu.memref_slice %arg2[%add3A_134, %dma_wait3A_135] : memref<32768x1024xf32, #tpu.memory_space<hbm>> -> memref<32x1024xf32, #tpu.memory_space<hbm>>
    %dma_wait3A_137 = arith.constant 0 : i32
    %dma_wait3A_138 = tpu.memref_slice %arg2[%add3A_134, %dma_wait3A_137] : memref<32768x1024xf32, #tpu.memory_space<hbm>> -> memref<32x1024xf32, #tpu.memory_space<hbm>>
    tpu.wait_dma2 semaphore(%arg7 : memref<!tpu.dma_semaphore, #tpu.memory_space<semaphore_mem>>) src(%dma_wait3A_138 : memref<32x1024xf32, #tpu.memory_space<hbm>>) dst(%arg5 : memref<32x1024xf32, #tpu.memory_space<vmem>>)
    %add3A_139 = arith.constant 160 : i32
    %add3A_140 = arith.addi %mul3A_2, %add3A_139 : i32
    %dma_start3A_141 = arith.constant 0 : i32
    %dma_start3A_142 = tpu.memref_slice %arg3[%add3A_140, %dma_start3A_141] : memref<32768x1024xf32, #tpu.memory_space<hbm>> -> memref<32x1024xf32, #tpu.memory_space<hbm>>
    %dma_start3A_143 = arith.constant 0 : i32
    %dma_start3A_144 = tpu.memref_slice %arg3[%add3A_140, %dma_start3A_143] : memref<32768x1024xf32, #tpu.memory_space<hbm>> -> memref<32x1024xf32, #tpu.memory_space<hbm>>
    tpu.enqueue_dma source(%arg5 : memref<32x1024xf32, #tpu.memory_space<vmem>>) target(%dma_start3A_144 : memref<32x1024xf32, #tpu.memory_space<hbm>>) target_semaphore(%arg9 : memref<!tpu.dma_semaphore, #tpu.memory_space<semaphore_mem>>)
    %add3A_145 = arith.constant 160 : i32
    %add3A_146 = arith.addi %mul3A_2, %add3A_145 : i32
    %dma_wait3A_147 = arith.constant 0 : i32
    %dma_wait3A_148 = tpu.memref_slice %arg3[%add3A_146, %dma_wait3A_147] : memref<32768x1024xf32, #tpu.memory_space<hbm>> -> memref<32x1024xf32, #tpu.memory_space<hbm>>
    %dma_wait3A_149 = arith.constant 0 : i32
    %dma_wait3A_150 = tpu.memref_slice %arg3[%add3A_146, %dma_wait3A_149] : memref<32768x1024xf32, #tpu.memory_space<hbm>> -> memref<32x1024xf32, #tpu.memory_space<hbm>>
    tpu.wait_dma2 semaphore(%arg9 : memref<!tpu.dma_semaphore, #tpu.memory_space<semaphore_mem>>) src(%arg5 : memref<32x1024xf32, #tpu.memory_space<vmem>>) dst(%dma_wait3A_150 : memref<32x1024xf32, #tpu.memory_space<hbm>>)
    %add3A_151 = arith.constant 224 : i32
    %add3A_152 = arith.addi %mul3A_2, %add3A_151 : i32
    %dma_start3A_153 = arith.constant 0 : i32
    %dma_start3A_154 = tpu.memref_slice %arg2[%add3A_152, %dma_start3A_153] : memref<32768x1024xf32, #tpu.memory_space<hbm>> -> memref<32x1024xf32, #tpu.memory_space<hbm>>
    %dma_start3A_155 = arith.constant 0 : i32
    %dma_start3A_156 = tpu.memref_slice %arg2[%add3A_152, %dma_start3A_155] : memref<32768x1024xf32, #tpu.memory_space<hbm>> -> memref<32x1024xf32, #tpu.memory_space<hbm>>
    tpu.enqueue_dma source(%dma_start3A_156 : memref<32x1024xf32, #tpu.memory_space<hbm>>) target(%arg5 : memref<32x1024xf32, #tpu.memory_space<vmem>>) target_semaphore(%arg7 : memref<!tpu.dma_semaphore, #tpu.memory_space<semaphore_mem>>)
    %add3A_157 = arith.constant 192 : i32
    %add3A_158 = arith.addi %mul3A_2, %add3A_157 : i32
    %dma_wait3A_159 = arith.constant 0 : i32
    %dma_wait3A_160 = tpu.memref_slice %arg2[%add3A_158, %dma_wait3A_159] : memref<32768x1024xf32, #tpu.memory_space<hbm>> -> memref<32x1024xf32, #tpu.memory_space<hbm>>
    %dma_wait3A_161 = arith.constant 0 : i32
    %dma_wait3A_162 = tpu.memref_slice %arg2[%add3A_158, %dma_wait3A_161] : memref<32768x1024xf32, #tpu.memory_space<hbm>> -> memref<32x1024xf32, #tpu.memory_space<hbm>>
    tpu.wait_dma2 semaphore(%arg6 : memref<!tpu.dma_semaphore, #tpu.memory_space<semaphore_mem>>) src(%dma_wait3A_162 : memref<32x1024xf32, #tpu.memory_space<hbm>>) dst(%arg4 : memref<32x1024xf32, #tpu.memory_space<vmem>>)
    %add3A_163 = arith.constant 192 : i32
    %add3A_164 = arith.addi %mul3A_2, %add3A_163 : i32
    %dma_start3A_165 = arith.constant 0 : i32
    %dma_start3A_166 = tpu.memref_slice %arg3[%add3A_164, %dma_start3A_165] : memref<32768x1024xf32, #tpu.memory_space<hbm>> -> memref<32x1024xf32, #tpu.memory_space<hbm>>
    %dma_start3A_167 = arith.constant 0 : i32
    %dma_start3A_168 = tpu.memref_slice %arg3[%add3A_164, %dma_start3A_167] : memref<32768x1024xf32, #tpu.memory_space<hbm>> -> memref<32x1024xf32, #tpu.memory_space<hbm>>
    tpu.enqueue_dma source(%arg4 : memref<32x1024xf32, #tpu.memory_space<vmem>>) target(%dma_start3A_168 : memref<32x1024xf32, #tpu.memory_space<hbm>>) target_semaphore(%arg8 : memref<!tpu.dma_semaphore, #tpu.memory_space<semaphore_mem>>)
    %add3A_169 = arith.constant 192 : i32
    %add3A_170 = arith.addi %mul3A_2, %add3A_169 : i32
    %dma_wait3A_171 = arith.constant 0 : i32
    %dma_wait3A_172 = tpu.memref_slice %arg3[%add3A_170, %dma_wait3A_171] : memref<32768x1024xf32, #tpu.memory_space<hbm>> -> memref<32x1024xf32, #tpu.memory_space<hbm>>
    %dma_wait3A_173 = arith.constant 0 : i32
    %dma_wait3A_174 = tpu.memref_slice %arg3[%add3A_170, %dma_wait3A_173] : memref<32768x1024xf32, #tpu.memory_space<hbm>> -> memref<32x1024xf32, #tpu.memory_space<hbm>>
    tpu.wait_dma2 semaphore(%arg8 : memref<!tpu.dma_semaphore, #tpu.memory_space<semaphore_mem>>) src(%arg4 : memref<32x1024xf32, #tpu.memory_space<vmem>>) dst(%dma_wait3A_174 : memref<32x1024xf32, #tpu.memory_space<hbm>>)
    %add3A_175 = arith.constant 256 : i32
    %add3A_176 = arith.addi %mul3A_2, %add3A_175 : i32
    %dma_start3A_177 = arith.constant 0 : i32
    %dma_start3A_178 = tpu.memref_slice %arg2[%add3A_176, %dma_start3A_177] : memref<32768x1024xf32, #tpu.memory_space<hbm>> -> memref<32x1024xf32, #tpu.memory_space<hbm>>
    %dma_start3A_179 = arith.constant 0 : i32
    %dma_start3A_180 = tpu.memref_slice %arg2[%add3A_176, %dma_start3A_179] : memref<32768x1024xf32, #tpu.memory_space<hbm>> -> memref<32x1024xf32, #tpu.memory_space<hbm>>
    tpu.enqueue_dma source(%dma_start3A_180 : memref<32x1024xf32, #tpu.memory_space<hbm>>) target(%arg4 : memref<32x1024xf32, #tpu.memory_space<vmem>>) target_semaphore(%arg6 : memref<!tpu.dma_semaphore, #tpu.memory_space<semaphore_mem>>)
    %add3A_181 = arith.constant 224 : i32
    %add3A_182 = arith.addi %mul3A_2, %add3A_181 : i32
    %dma_wait3A_183 = arith.constant 0 : i32
    %dma_wait3A_184 = tpu.memref_slice %arg2[%add3A_182, %dma_wait3A_183] : memref<32768x1024xf32, #tpu.memory_space<hbm>> -> memref<32x1024xf32, #tpu.memory_space<hbm>>
    %dma_wait3A_185 = arith.constant 0 : i32
    %dma_wait3A_186 = tpu.memref_slice %arg2[%add3A_182, %dma_wait3A_185] : memref<32768x1024xf32, #tpu.memory_space<hbm>> -> memref<32x1024xf32, #tpu.memory_space<hbm>>
    tpu.wait_dma2 semaphore(%arg7 : memref<!tpu.dma_semaphore, #tpu.memory_space<semaphore_mem>>) src(%dma_wait3A_186 : memref<32x1024xf32, #tpu.memory_space<hbm>>) dst(%arg5 : memref<32x1024xf32, #tpu.memory_space<vmem>>)
    %add3A_187 = arith.constant 224 : i32
    %add3A_188 = arith.addi %mul3A_2, %add3A_187 : i32
    %dma_start3A_189 = arith.constant 0 : i32
    %dma_start3A_190 = tpu.memref_slice %arg3[%add3A_188, %dma_start3A_189] : memref<32768x1024xf32, #tpu.memory_space<hbm>> -> memref<32x1024xf32, #tpu.memory_space<hbm>>
    %dma_start3A_191 = arith.constant 0 : i32
    %dma_start3A_192 = tpu.memref_slice %arg3[%add3A_188, %dma_start3A_191] : memref<32768x1024xf32, #tpu.memory_space<hbm>> -> memref<32x1024xf32, #tpu.memory_space<hbm>>
    tpu.enqueue_dma source(%arg5 : memref<32x1024xf32, #tpu.memory_space<vmem>>) target(%dma_start3A_192 : memref<32x1024xf32, #tpu.memory_space<hbm>>) target_semaphore(%arg9 : memref<!tpu.dma_semaphore, #tpu.memory_space<semaphore_mem>>)
    %add3A_193 = arith.constant 224 : i32
    %add3A_194 = arith.addi %mul3A_2, %add3A_193 : i32
    %dma_wait3A_195 = arith.constant 0 : i32
    %dma_wait3A_196 = tpu.memref_slice %arg3[%add3A_194, %dma_wait3A_195] : memref<32768x1024xf32, #tpu.memory_space<hbm>> -> memref<32x1024xf32, #tpu.memory_space<hbm>>
    %dma_wait3A_197 = arith.constant 0 : i32
    %dma_wait3A_198 = tpu.memref_slice %arg3[%add3A_194, %dma_wait3A_197] : memref<32768x1024xf32, #tpu.memory_space<hbm>> -> memref<32x1024xf32, #tpu.memory_space<hbm>>
    tpu.wait_dma2 semaphore(%arg9 : memref<!tpu.dma_semaphore, #tpu.memory_space<semaphore_mem>>) src(%arg5 : memref<32x1024xf32, #tpu.memory_space<vmem>>) dst(%dma_wait3A_198 : memref<32x1024xf32, #tpu.memory_space<hbm>>)
    %add3A_199 = arith.constant 288 : i32
    %add3A_200 = arith.addi %mul3A_2, %add3A_199 : i32
    %dma_start3A_201 = arith.constant 0 : i32
    %dma_start3A_202 = tpu.memref_slice %arg2[%add3A_200, %dma_start3A_201] : memref<32768x1024xf32, #tpu.memory_space<hbm>> -> memref<32x1024xf32, #tpu.memory_space<hbm>>
    %dma_start3A_203 = arith.constant 0 : i32
    %dma_start3A_204 = tpu.memref_slice %arg2[%add3A_200, %dma_start3A_203] : memref<32768x1024xf32, #tpu.memory_space<hbm>> -> memref<32x1024xf32, #tpu.memory_space<hbm>>
    tpu.enqueue_dma source(%dma_start3A_204 : memref<32x1024xf32, #tpu.memory_space<hbm>>) target(%arg5 : memref<32x1024xf32, #tpu.memory_space<vmem>>) target_semaphore(%arg7 : memref<!tpu.dma_semaphore, #tpu.memory_space<semaphore_mem>>)
    %add3A_205 = arith.constant 256 : i32
    %add3A_206 = arith.addi %mul3A_2, %add3A_205 : i32
    %dma_wait3A_207 = arith.constant 0 : i32
    %dma_wait3A_208 = tpu.memref_slice %arg2[%add3A_206, %dma_wait3A_207] : memref<32768x1024xf32, #tpu.memory_space<hbm>> -> memref<32x1024xf32, #tpu.memory_space<hbm>>
    %dma_wait3A_209 = arith.constant 0 : i32
    %dma_wait3A_210 = tpu.memref_slice %arg2[%add3A_206, %dma_wait3A_209] : memref<32768x1024xf32, #tpu.memory_space<hbm>> -> memref<32x1024xf32, #tpu.memory_space<hbm>>
    tpu.wait_dma2 semaphore(%arg6 : memref<!tpu.dma_semaphore, #tpu.memory_space<semaphore_mem>>) src(%dma_wait3A_210 : memref<32x1024xf32, #tpu.memory_space<hbm>>) dst(%arg4 : memref<32x1024xf32, #tpu.memory_space<vmem>>)
    %add3A_211 = arith.constant 256 : i32
    %add3A_212 = arith.addi %mul3A_2, %add3A_211 : i32
    %dma_start3A_213 = arith.constant 0 : i32
    %dma_start3A_214 = tpu.memref_slice %arg3[%add3A_212, %dma_start3A_213] : memref<32768x1024xf32, #tpu.memory_space<hbm>> -> memref<32x1024xf32, #tpu.memory_space<hbm>>
    %dma_start3A_215 = arith.constant 0 : i32
    %dma_start3A_216 = tpu.memref_slice %arg3[%add3A_212, %dma_start3A_215] : memref<32768x1024xf32, #tpu.memory_space<hbm>> -> memref<32x1024xf32, #tpu.memory_space<hbm>>
    tpu.enqueue_dma source(%arg4 : memref<32x1024xf32, #tpu.memory_space<vmem>>) target(%dma_start3A_216 : memref<32x1024xf32, #tpu.memory_space<hbm>>) target_semaphore(%arg8 : memref<!tpu.dma_semaphore, #tpu.memory_space<semaphore_mem>>)
    %add3A_217 = arith.constant 256 : i32
    %add3A_218 = arith.addi %mul3A_2, %add3A_217 : i32
    %dma_wait3A_219 = arith.constant 0 : i32
    %dma_wait3A_220 = tpu.memref_slice %arg3[%add3A_218, %dma_wait3A_219] : memref<32768x1024xf32, #tpu.memory_space<hbm>> -> memref<32x1024xf32, #tpu.memory_space<hbm>>
    %dma_wait3A_221 = arith.constant 0 : i32
    %dma_wait3A_222 = tpu.memref_slice %arg3[%add3A_218, %dma_wait3A_221] : memref<32768x1024xf32, #tpu.memory_space<hbm>> -> memref<32x1024xf32, #tpu.memory_space<hbm>>
    tpu.wait_dma2 semaphore(%arg8 : memref<!tpu.dma_semaphore, #tpu.memory_space<semaphore_mem>>) src(%arg4 : memref<32x1024xf32, #tpu.memory_space<vmem>>) dst(%dma_wait3A_222 : memref<32x1024xf32, #tpu.memory_space<hbm>>)
    %add3A_223 = arith.constant 320 : i32
    %add3A_224 = arith.addi %mul3A_2, %add3A_223 : i32
    %dma_start3A_225 = arith.constant 0 : i32
    %dma_start3A_226 = tpu.memref_slice %arg2[%add3A_224, %dma_start3A_225] : memref<32768x1024xf32, #tpu.memory_space<hbm>> -> memref<32x1024xf32, #tpu.memory_space<hbm>>
    %dma_start3A_227 = arith.constant 0 : i32
    %dma_start3A_228 = tpu.memref_slice %arg2[%add3A_224, %dma_start3A_227] : memref<32768x1024xf32, #tpu.memory_space<hbm>> -> memref<32x1024xf32, #tpu.memory_space<hbm>>
    tpu.enqueue_dma source(%dma_start3A_228 : memref<32x1024xf32, #tpu.memory_space<hbm>>) target(%arg4 : memref<32x1024xf32, #tpu.memory_space<vmem>>) target_semaphore(%arg6 : memref<!tpu.dma_semaphore, #tpu.memory_space<semaphore_mem>>)
    %add3A_229 = arith.constant 288 : i32
    %add3A_230 = arith.addi %mul3A_2, %add3A_229 : i32
    %dma_wait3A_231 = arith.constant 0 : i32
    %dma_wait3A_232 = tpu.memref_slice %arg2[%add3A_230, %dma_wait3A_231] : memref<32768x1024xf32, #tpu.memory_space<hbm>> -> memref<32x1024xf32, #tpu.memory_space<hbm>>
    %dma_wait3A_233 = arith.constant 0 : i32
    %dma_wait3A_234 = tpu.memref_slice %arg2[%add3A_230, %dma_wait3A_233] : memref<32768x1024xf32, #tpu.memory_space<hbm>> -> memref<32x1024xf32, #tpu.memory_space<hbm>>
    tpu.wait_dma2 semaphore(%arg7 : memref<!tpu.dma_semaphore, #tpu.memory_space<semaphore_mem>>) src(%dma_wait3A_234 : memref<32x1024xf32, #tpu.memory_space<hbm>>) dst(%arg5 : memref<32x1024xf32, #tpu.memory_space<vmem>>)
    %add3A_235 = arith.constant 288 : i32
    %add3A_236 = arith.addi %mul3A_2, %add3A_235 : i32
    %dma_start3A_237 = arith.constant 0 : i32
    %dma_start3A_238 = tpu.memref_slice %arg3[%add3A_236, %dma_start3A_237] : memref<32768x1024xf32, #tpu.memory_space<hbm>> -> memref<32x1024xf32, #tpu.memory_space<hbm>>
    %dma_start3A_239 = arith.constant 0 : i32
    %dma_start3A_240 = tpu.memref_slice %arg3[%add3A_236, %dma_start3A_239] : memref<32768x1024xf32, #tpu.memory_space<hbm>> -> memref<32x1024xf32, #tpu.memory_space<hbm>>
    tpu.enqueue_dma source(%arg5 : memref<32x1024xf32, #tpu.memory_space<vmem>>) target(%dma_start3A_240 : memref<32x1024xf32, #tpu.memory_space<hbm>>) target_semaphore(%arg9 : memref<!tpu.dma_semaphore, #tpu.memory_space<semaphore_mem>>)
    %add3A_241 = arith.constant 288 : i32
    %add3A_242 = arith.addi %mul3A_2, %add3A_241 : i32
    %dma_wait3A_243 = arith.constant 0 : i32
    %dma_wait3A_244 = tpu.memref_slice %arg3[%add3A_242, %dma_wait3A_243] : memref<32768x1024xf32, #tpu.memory_space<hbm>> -> memref<32x1024xf32, #tpu.memory_space<hbm>>
    %dma_wait3A_245 = arith.constant 0 : i32
    %dma_wait3A_246 = tpu.memref_slice %arg3[%add3A_242, %dma_wait3A_245] : memref<32768x1024xf32, #tpu.memory_space<hbm>> -> memref<32x1024xf32, #tpu.memory_space<hbm>>
    tpu.wait_dma2 semaphore(%arg9 : memref<!tpu.dma_semaphore, #tpu.memory_space<semaphore_mem>>) src(%arg5 : memref<32x1024xf32, #tpu.memory_space<vmem>>) dst(%dma_wait3A_246 : memref<32x1024xf32, #tpu.memory_space<hbm>>)
    %add3A_247 = arith.constant 352 : i32
    %add3A_248 = arith.addi %mul3A_2, %add3A_247 : i32
    %dma_start3A_249 = arith.constant 0 : i32
    %dma_start3A_250 = tpu.memref_slice %arg2[%add3A_248, %dma_start3A_249] : memref<32768x1024xf32, #tpu.memory_space<hbm>> -> memref<32x1024xf32, #tpu.memory_space<hbm>>
    %dma_start3A_251 = arith.constant 0 : i32
    %dma_start3A_252 = tpu.memref_slice %arg2[%add3A_248, %dma_start3A_251] : memref<32768x1024xf32, #tpu.memory_space<hbm>> -> memref<32x1024xf32, #tpu.memory_space<hbm>>
    tpu.enqueue_dma source(%dma_start3A_252 : memref<32x1024xf32, #tpu.memory_space<hbm>>) target(%arg5 : memref<32x1024xf32, #tpu.memory_space<vmem>>) target_semaphore(%arg7 : memref<!tpu.dma_semaphore, #tpu.memory_space<semaphore_mem>>)
    %add3A_253 = arith.constant 320 : i32
    %add3A_254 = arith.addi %mul3A_2, %add3A_253 : i32
    %dma_wait3A_255 = arith.constant 0 : i32
    %dma_wait3A_256 = tpu.memref_slice %arg2[%add3A_254, %dma_wait3A_255] : memref<32768x1024xf32, #tpu.memory_space<hbm>> -> memref<32x1024xf32, #tpu.memory_space<hbm>>
    %dma_wait3A_257 = arith.constant 0 : i32
    %dma_wait3A_258 = tpu.memref_slice %arg2[%add3A_254, %dma_wait3A_257] : memref<32768x1024xf32, #tpu.memory_space<hbm>> -> memref<32x1024xf32, #tpu.memory_space<hbm>>
    tpu.wait_dma2 semaphore(%arg6 : memref<!tpu.dma_semaphore, #tpu.memory_space<semaphore_mem>>) src(%dma_wait3A_258 : memref<32x1024xf32, #tpu.memory_space<hbm>>) dst(%arg4 : memref<32x1024xf32, #tpu.memory_space<vmem>>)
    %add3A_259 = arith.constant 320 : i32
    %add3A_260 = arith.addi %mul3A_2, %add3A_259 : i32
    %dma_start3A_261 = arith.constant 0 : i32
    %dma_start3A_262 = tpu.memref_slice %arg3[%add3A_260, %dma_start3A_261] : memref<32768x1024xf32, #tpu.memory_space<hbm>> -> memref<32x1024xf32, #tpu.memory_space<hbm>>
    %dma_start3A_263 = arith.constant 0 : i32
    %dma_start3A_264 = tpu.memref_slice %arg3[%add3A_260, %dma_start3A_263] : memref<32768x1024xf32, #tpu.memory_space<hbm>> -> memref<32x1024xf32, #tpu.memory_space<hbm>>
    tpu.enqueue_dma source(%arg4 : memref<32x1024xf32, #tpu.memory_space<vmem>>) target(%dma_start3A_264 : memref<32x1024xf32, #tpu.memory_space<hbm>>) target_semaphore(%arg8 : memref<!tpu.dma_semaphore, #tpu.memory_space<semaphore_mem>>)
    %add3A_265 = arith.constant 320 : i32
    %add3A_266 = arith.addi %mul3A_2, %add3A_265 : i32
    %dma_wait3A_267 = arith.constant 0 : i32
    %dma_wait3A_268 = tpu.memref_slice %arg3[%add3A_266, %dma_wait3A_267] : memref<32768x1024xf32, #tpu.memory_space<hbm>> -> memref<32x1024xf32, #tpu.memory_space<hbm>>
    %dma_wait3A_269 = arith.constant 0 : i32
    %dma_wait3A_270 = tpu.memref_slice %arg3[%add3A_266, %dma_wait3A_269] : memref<32768x1024xf32, #tpu.memory_space<hbm>> -> memref<32x1024xf32, #tpu.memory_space<hbm>>
    tpu.wait_dma2 semaphore(%arg8 : memref<!tpu.dma_semaphore, #tpu.memory_space<semaphore_mem>>) src(%arg4 : memref<32x1024xf32, #tpu.memory_space<vmem>>) dst(%dma_wait3A_270 : memref<32x1024xf32, #tpu.memory_space<hbm>>)
    %add3A_271 = arith.constant 384 : i32
    %add3A_272 = arith.addi %mul3A_2, %add3A_271 : i32
    %dma_start3A_273 = arith.constant 0 : i32
    %dma_start3A_274 = tpu.memref_slice %arg2[%add3A_272, %dma_start3A_273] : memref<32768x1024xf32, #tpu.memory_space<hbm>> -> memref<32x1024xf32, #tpu.memory_space<hbm>>
    %dma_start3A_275 = arith.constant 0 : i32
    %dma_start3A_276 = tpu.memref_slice %arg2[%add3A_272, %dma_start3A_275] : memref<32768x1024xf32, #tpu.memory_space<hbm>> -> memref<32x1024xf32, #tpu.memory_space<hbm>>
    tpu.enqueue_dma source(%dma_start3A_276 : memref<32x1024xf32, #tpu.memory_space<hbm>>) target(%arg4 : memref<32x1024xf32, #tpu.memory_space<vmem>>) target_semaphore(%arg6 : memref<!tpu.dma_semaphore, #tpu.memory_space<semaphore_mem>>)
    %add3A_277 = arith.constant 352 : i32
    %add3A_278 = arith.addi %mul3A_2, %add3A_277 : i32
    %dma_wait3A_279 = arith.constant 0 : i32
    %dma_wait3A_280 = tpu.memref_slice %arg2[%add3A_278, %dma_wait3A_279] : memref<32768x1024xf32, #tpu.memory_space<hbm>> -> memref<32x1024xf32, #tpu.memory_space<hbm>>
    %dma_wait3A_281 = arith.constant 0 : i32
    %dma_wait3A_282 = tpu.memref_slice %arg2[%add3A_278, %dma_wait3A_281] : memref<32768x1024xf32, #tpu.memory_space<hbm>> -> memref<32x1024xf32, #tpu.memory_space<hbm>>
    tpu.wait_dma2 semaphore(%arg7 : memref<!tpu.dma_semaphore, #tpu.memory_space<semaphore_mem>>) src(%dma_wait3A_282 : memref<32x1024xf32, #tpu.memory_space<hbm>>) dst(%arg5 : memref<32x1024xf32, #tpu.memory_space<vmem>>)
    %add3A_283 = arith.constant 352 : i32
    %add3A_284 = arith.addi %mul3A_2, %add3A_283 : i32
    %dma_start3A_285 = arith.constant 0 : i32
    %dma_start3A_286 = tpu.memref_slice %arg3[%add3A_284, %dma_start3A_285] : memref<32768x1024xf32, #tpu.memory_space<hbm>> -> memref<32x1024xf32, #tpu.memory_space<hbm>>
    %dma_start3A_287 = arith.constant 0 : i32
    %dma_start3A_288 = tpu.memref_slice %arg3[%add3A_284, %dma_start3A_287] : memref<32768x1024xf32, #tpu.memory_space<hbm>> -> memref<32x1024xf32, #tpu.memory_space<hbm>>
    tpu.enqueue_dma source(%arg5 : memref<32x1024xf32, #tpu.memory_space<vmem>>) target(%dma_start3A_288 : memref<32x1024xf32, #tpu.memory_space<hbm>>) target_semaphore(%arg9 : memref<!tpu.dma_semaphore, #tpu.memory_space<semaphore_mem>>)
    %add3A_289 = arith.constant 352 : i32
    %add3A_290 = arith.addi %mul3A_2, %add3A_289 : i32
    %dma_wait3A_291 = arith.constant 0 : i32
    %dma_wait3A_292 = tpu.memref_slice %arg3[%add3A_290, %dma_wait3A_291] : memref<32768x1024xf32, #tpu.memory_space<hbm>> -> memref<32x1024xf32, #tpu.memory_space<hbm>>
    %dma_wait3A_293 = arith.constant 0 : i32
    %dma_wait3A_294 = tpu.memref_slice %arg3[%add3A_290, %dma_wait3A_293] : memref<32768x1024xf32, #tpu.memory_space<hbm>> -> memref<32x1024xf32, #tpu.memory_space<hbm>>
    tpu.wait_dma2 semaphore(%arg9 : memref<!tpu.dma_semaphore, #tpu.memory_space<semaphore_mem>>) src(%arg5 : memref<32x1024xf32, #tpu.memory_space<vmem>>) dst(%dma_wait3A_294 : memref<32x1024xf32, #tpu.memory_space<hbm>>)
    %add3A_295 = arith.constant 416 : i32
    %add3A_296 = arith.addi %mul3A_2, %add3A_295 : i32
    %dma_start3A_297 = arith.constant 0 : i32
    %dma_start3A_298 = tpu.memref_slice %arg2[%add3A_296, %dma_start3A_297] : memref<32768x1024xf32, #tpu.memory_space<hbm>> -> memref<32x1024xf32, #tpu.memory_space<hbm>>
    %dma_start3A_299 = arith.constant 0 : i32
    %dma_start3A_300 = tpu.memref_slice %arg2[%add3A_296, %dma_start3A_299] : memref<32768x1024xf32, #tpu.memory_space<hbm>> -> memref<32x1024xf32, #tpu.memory_space<hbm>>
    tpu.enqueue_dma source(%dma_start3A_300 : memref<32x1024xf32, #tpu.memory_space<hbm>>) target(%arg5 : memref<32x1024xf32, #tpu.memory_space<vmem>>) target_semaphore(%arg7 : memref<!tpu.dma_semaphore, #tpu.memory_space<semaphore_mem>>)
    %add3A_301 = arith.constant 384 : i32
    %add3A_302 = arith.addi %mul3A_2, %add3A_301 : i32
    %dma_wait3A_303 = arith.constant 0 : i32
    %dma_wait3A_304 = tpu.memref_slice %arg2[%add3A_302, %dma_wait3A_303] : memref<32768x1024xf32, #tpu.memory_space<hbm>> -> memref<32x1024xf32, #tpu.memory_space<hbm>>
    %dma_wait3A_305 = arith.constant 0 : i32
    %dma_wait3A_306 = tpu.memref_slice %arg2[%add3A_302, %dma_wait3A_305] : memref<32768x1024xf32, #tpu.memory_space<hbm>> -> memref<32x1024xf32, #tpu.memory_space<hbm>>
    tpu.wait_dma2 semaphore(%arg6 : memref<!tpu.dma_semaphore, #tpu.memory_space<semaphore_mem>>) src(%dma_wait3A_306 : memref<32x1024xf32, #tpu.memory_space<hbm>>) dst(%arg4 : memref<32x1024xf32, #tpu.memory_space<vmem>>)
    %add3A_307 = arith.constant 384 : i32
    %add3A_308 = arith.addi %mul3A_2, %add3A_307 : i32
    %dma_start3A_309 = arith.constant 0 : i32
    %dma_start3A_310 = tpu.memref_slice %arg3[%add3A_308, %dma_start3A_309] : memref<32768x1024xf32, #tpu.memory_space<hbm>> -> memref<32x1024xf32, #tpu.memory_space<hbm>>
    %dma_start3A_311 = arith.constant 0 : i32
    %dma_start3A_312 = tpu.memref_slice %arg3[%add3A_308, %dma_start3A_311] : memref<32768x1024xf32, #tpu.memory_space<hbm>> -> memref<32x1024xf32, #tpu.memory_space<hbm>>
    tpu.enqueue_dma source(%arg4 : memref<32x1024xf32, #tpu.memory_space<vmem>>) target(%dma_start3A_312 : memref<32x1024xf32, #tpu.memory_space<hbm>>) target_semaphore(%arg8 : memref<!tpu.dma_semaphore, #tpu.memory_space<semaphore_mem>>)
    %add3A_313 = arith.constant 384 : i32
    %add3A_314 = arith.addi %mul3A_2, %add3A_313 : i32
    %dma_wait3A_315 = arith.constant 0 : i32
    %dma_wait3A_316 = tpu.memref_slice %arg3[%add3A_314, %dma_wait3A_315] : memref<32768x1024xf32, #tpu.memory_space<hbm>> -> memref<32x1024xf32, #tpu.memory_space<hbm>>
    %dma_wait3A_317 = arith.constant 0 : i32
    %dma_wait3A_318 = tpu.memref_slice %arg3[%add3A_314, %dma_wait3A_317] : memref<32768x1024xf32, #tpu.memory_space<hbm>> -> memref<32x1024xf32, #tpu.memory_space<hbm>>
    tpu.wait_dma2 semaphore(%arg8 : memref<!tpu.dma_semaphore, #tpu.memory_space<semaphore_mem>>) src(%arg4 : memref<32x1024xf32, #tpu.memory_space<vmem>>) dst(%dma_wait3A_318 : memref<32x1024xf32, #tpu.memory_space<hbm>>)
    %add3A_319 = arith.constant 448 : i32
    %add3A_320 = arith.addi %mul3A_2, %add3A_319 : i32
    %dma_start3A_321 = arith.constant 0 : i32
    %dma_start3A_322 = tpu.memref_slice %arg2[%add3A_320, %dma_start3A_321] : memref<32768x1024xf32, #tpu.memory_space<hbm>> -> memref<32x1024xf32, #tpu.memory_space<hbm>>
    %dma_start3A_323 = arith.constant 0 : i32
    %dma_start3A_324 = tpu.memref_slice %arg2[%add3A_320, %dma_start3A_323] : memref<32768x1024xf32, #tpu.memory_space<hbm>> -> memref<32x1024xf32, #tpu.memory_space<hbm>>
    tpu.enqueue_dma source(%dma_start3A_324 : memref<32x1024xf32, #tpu.memory_space<hbm>>) target(%arg4 : memref<32x1024xf32, #tpu.memory_space<vmem>>) target_semaphore(%arg6 : memref<!tpu.dma_semaphore, #tpu.memory_space<semaphore_mem>>)
    %add3A_325 = arith.constant 416 : i32
    %add3A_326 = arith.addi %mul3A_2, %add3A_325 : i32
    %dma_wait3A_327 = arith.constant 0 : i32
    %dma_wait3A_328 = tpu.memref_slice %arg2[%add3A_326, %dma_wait3A_327] : memref<32768x1024xf32, #tpu.memory_space<hbm>> -> memref<32x1024xf32, #tpu.memory_space<hbm>>
    %dma_wait3A_329 = arith.constant 0 : i32
    %dma_wait3A_330 = tpu.memref_slice %arg2[%add3A_326, %dma_wait3A_329] : memref<32768x1024xf32, #tpu.memory_space<hbm>> -> memref<32x1024xf32, #tpu.memory_space<hbm>>
    tpu.wait_dma2 semaphore(%arg7 : memref<!tpu.dma_semaphore, #tpu.memory_space<semaphore_mem>>) src(%dma_wait3A_330 : memref<32x1024xf32, #tpu.memory_space<hbm>>) dst(%arg5 : memref<32x1024xf32, #tpu.memory_space<vmem>>)
    %add3A_331 = arith.constant 416 : i32
    %add3A_332 = arith.addi %mul3A_2, %add3A_331 : i32
    %dma_start3A_333 = arith.constant 0 : i32
    %dma_start3A_334 = tpu.memref_slice %arg3[%add3A_332, %dma_start3A_333] : memref<32768x1024xf32, #tpu.memory_space<hbm>> -> memref<32x1024xf32, #tpu.memory_space<hbm>>
    %dma_start3A_335 = arith.constant 0 : i32
    %dma_start3A_336 = tpu.memref_slice %arg3[%add3A_332, %dma_start3A_335] : memref<32768x1024xf32, #tpu.memory_space<hbm>> -> memref<32x1024xf32, #tpu.memory_space<hbm>>
    tpu.enqueue_dma source(%arg5 : memref<32x1024xf32, #tpu.memory_space<vmem>>) target(%dma_start3A_336 : memref<32x1024xf32, #tpu.memory_space<hbm>>) target_semaphore(%arg9 : memref<!tpu.dma_semaphore, #tpu.memory_space<semaphore_mem>>)
    %add3A_337 = arith.constant 416 : i32
    %add3A_338 = arith.addi %mul3A_2, %add3A_337 : i32
    %dma_wait3A_339 = arith.constant 0 : i32
    %dma_wait3A_340 = tpu.memref_slice %arg3[%add3A_338, %dma_wait3A_339] : memref<32768x1024xf32, #tpu.memory_space<hbm>> -> memref<32x1024xf32, #tpu.memory_space<hbm>>
    %dma_wait3A_341 = arith.constant 0 : i32
    %dma_wait3A_342 = tpu.memref_slice %arg3[%add3A_338, %dma_wait3A_341] : memref<32768x1024xf32, #tpu.memory_space<hbm>> -> memref<32x1024xf32, #tpu.memory_space<hbm>>
    tpu.wait_dma2 semaphore(%arg9 : memref<!tpu.dma_semaphore, #tpu.memory_space<semaphore_mem>>) src(%arg5 : memref<32x1024xf32, #tpu.memory_space<vmem>>) dst(%dma_wait3A_342 : memref<32x1024xf32, #tpu.memory_space<hbm>>)
    %add3A_343 = arith.constant 480 : i32
    %add3A_344 = arith.addi %mul3A_2, %add3A_343 : i32
    %dma_start3A_345 = arith.constant 0 : i32
    %dma_start3A_346 = tpu.memref_slice %arg2[%add3A_344, %dma_start3A_345] : memref<32768x1024xf32, #tpu.memory_space<hbm>> -> memref<32x1024xf32, #tpu.memory_space<hbm>>
    %dma_start3A_347 = arith.constant 0 : i32
    %dma_start3A_348 = tpu.memref_slice %arg2[%add3A_344, %dma_start3A_347] : memref<32768x1024xf32, #tpu.memory_space<hbm>> -> memref<32x1024xf32, #tpu.memory_space<hbm>>
    tpu.enqueue_dma source(%dma_start3A_348 : memref<32x1024xf32, #tpu.memory_space<hbm>>) target(%arg5 : memref<32x1024xf32, #tpu.memory_space<vmem>>) target_semaphore(%arg7 : memref<!tpu.dma_semaphore, #tpu.memory_space<semaphore_mem>>)
    %add3A_349 = arith.constant 448 : i32
    %add3A_350 = arith.addi %mul3A_2, %add3A_349 : i32
    %dma_wait3A_351 = arith.constant 0 : i32
    %dma_wait3A_352 = tpu.memref_slice %arg2[%add3A_350, %dma_wait3A_351] : memref<32768x1024xf32, #tpu.memory_space<hbm>> -> memref<32x1024xf32, #tpu.memory_space<hbm>>
    %dma_wait3A_353 = arith.constant 0 : i32
    %dma_wait3A_354 = tpu.memref_slice %arg2[%add3A_350, %dma_wait3A_353] : memref<32768x1024xf32, #tpu.memory_space<hbm>> -> memref<32x1024xf32, #tpu.memory_space<hbm>>
    tpu.wait_dma2 semaphore(%arg6 : memref<!tpu.dma_semaphore, #tpu.memory_space<semaphore_mem>>) src(%dma_wait3A_354 : memref<32x1024xf32, #tpu.memory_space<hbm>>) dst(%arg4 : memref<32x1024xf32, #tpu.memory_space<vmem>>)
    %add3A_355 = arith.constant 448 : i32
    %add3A_356 = arith.addi %mul3A_2, %add3A_355 : i32
    %dma_start3A_357 = arith.constant 0 : i32
    %dma_start3A_358 = tpu.memref_slice %arg3[%add3A_356, %dma_start3A_357] : memref<32768x1024xf32, #tpu.memory_space<hbm>> -> memref<32x1024xf32, #tpu.memory_space<hbm>>
    %dma_start3A_359 = arith.constant 0 : i32
    %dma_start3A_360 = tpu.memref_slice %arg3[%add3A_356, %dma_start3A_359] : memref<32768x1024xf32, #tpu.memory_space<hbm>> -> memref<32x1024xf32, #tpu.memory_space<hbm>>
    tpu.enqueue_dma source(%arg4 : memref<32x1024xf32, #tpu.memory_space<vmem>>) target(%dma_start3A_360 : memref<32x1024xf32, #tpu.memory_space<hbm>>) target_semaphore(%arg8 : memref<!tpu.dma_semaphore, #tpu.memory_space<semaphore_mem>>)
    %add3A_361 = arith.constant 448 : i32
    %add3A_362 = arith.addi %mul3A_2, %add3A_361 : i32
    %dma_wait3A_363 = arith.constant 0 : i32
    %dma_wait3A_364 = tpu.memref_slice %arg3[%add3A_362, %dma_wait3A_363] : memref<32768x1024xf32, #tpu.memory_space<hbm>> -> memref<32x1024xf32, #tpu.memory_space<hbm>>
    %dma_wait3A_365 = arith.constant 0 : i32
    %dma_wait3A_366 = tpu.memref_slice %arg3[%add3A_362, %dma_wait3A_365] : memref<32768x1024xf32, #tpu.memory_space<hbm>> -> memref<32x1024xf32, #tpu.memory_space<hbm>>
    tpu.wait_dma2 semaphore(%arg8 : memref<!tpu.dma_semaphore, #tpu.memory_space<semaphore_mem>>) src(%arg4 : memref<32x1024xf32, #tpu.memory_space<vmem>>) dst(%dma_wait3A_366 : memref<32x1024xf32, #tpu.memory_space<hbm>>)
    %add3A_367 = arith.constant 512 : i32
    %add3A_368 = arith.addi %mul3A_2, %add3A_367 : i32
    %dma_start3A_369 = arith.constant 0 : i32
    %dma_start3A_370 = tpu.memref_slice %arg2[%add3A_368, %dma_start3A_369] : memref<32768x1024xf32, #tpu.memory_space<hbm>> -> memref<32x1024xf32, #tpu.memory_space<hbm>>
    %dma_start3A_371 = arith.constant 0 : i32
    %dma_start3A_372 = tpu.memref_slice %arg2[%add3A_368, %dma_start3A_371] : memref<32768x1024xf32, #tpu.memory_space<hbm>> -> memref<32x1024xf32, #tpu.memory_space<hbm>>
    tpu.enqueue_dma source(%dma_start3A_372 : memref<32x1024xf32, #tpu.memory_space<hbm>>) target(%arg4 : memref<32x1024xf32, #tpu.memory_space<vmem>>) target_semaphore(%arg6 : memref<!tpu.dma_semaphore, #tpu.memory_space<semaphore_mem>>)
    %add3A_373 = arith.constant 480 : i32
    %add3A_374 = arith.addi %mul3A_2, %add3A_373 : i32
    %dma_wait3A_375 = arith.constant 0 : i32
    %dma_wait3A_376 = tpu.memref_slice %arg2[%add3A_374, %dma_wait3A_375] : memref<32768x1024xf32, #tpu.memory_space<hbm>> -> memref<32x1024xf32, #tpu.memory_space<hbm>>
    %dma_wait3A_377 = arith.constant 0 : i32
    %dma_wait3A_378 = tpu.memref_slice %arg2[%add3A_374, %dma_wait3A_377] : memref<32768x1024xf32, #tpu.memory_space<hbm>> -> memref<32x1024xf32, #tpu.memory_space<hbm>>
    tpu.wait_dma2 semaphore(%arg7 : memref<!tpu.dma_semaphore, #tpu.memory_space<semaphore_mem>>) src(%dma_wait3A_378 : memref<32x1024xf32, #tpu.memory_space<hbm>>) dst(%arg5 : memref<32x1024xf32, #tpu.memory_space<vmem>>)
    %add3A_379 = arith.constant 480 : i32
    %add3A_380 = arith.addi %mul3A_2, %add3A_379 : i32
    %dma_start3A_381 = arith.constant 0 : i32
    %dma_start3A_382 = tpu.memref_slice %arg3[%add3A_380, %dma_start3A_381] : memref<32768x1024xf32, #tpu.memory_space<hbm>> -> memref<32x1024xf32, #tpu.memory_space<hbm>>
    %dma_start3A_383 = arith.constant 0 : i32
    %dma_start3A_384 = tpu.memref_slice %arg3[%add3A_380, %dma_start3A_383] : memref<32768x1024xf32, #tpu.memory_space<hbm>> -> memref<32x1024xf32, #tpu.memory_space<hbm>>
    tpu.enqueue_dma source(%arg5 : memref<32x1024xf32, #tpu.memory_space<vmem>>) target(%dma_start3A_384 : memref<32x1024xf32, #tpu.memory_space<hbm>>) target_semaphore(%arg9 : memref<!tpu.dma_semaphore, #tpu.memory_space<semaphore_mem>>)
    %add3A_385 = arith.constant 480 : i32
    %add3A_386 = arith.addi %mul3A_2, %add3A_385 : i32
    %dma_wait3A_387 = arith.constant 0 : i32
    %dma_wait3A_388 = tpu.memref_slice %arg3[%add3A_386, %dma_wait3A_387] : memref<32768x1024xf32, #tpu.memory_space<hbm>> -> memref<32x1024xf32, #tpu.memory_space<hbm>>
    %dma_wait3A_389 = arith.constant 0 : i32
    %dma_wait3A_390 = tpu.memref_slice %arg3[%add3A_386, %dma_wait3A_389] : memref<32768x1024xf32, #tpu.memory_space<hbm>> -> memref<32x1024xf32, #tpu.memory_space<hbm>>
    tpu.wait_dma2 semaphore(%arg9 : memref<!tpu.dma_semaphore, #tpu.memory_space<semaphore_mem>>) src(%arg5 : memref<32x1024xf32, #tpu.memory_space<vmem>>) dst(%dma_wait3A_390 : memref<32x1024xf32, #tpu.memory_space<hbm>>)
    %add3A_391 = arith.constant 544 : i32
    %add3A_392 = arith.addi %mul3A_2, %add3A_391 : i32
    %dma_start3A_393 = arith.constant 0 : i32
    %dma_start3A_394 = tpu.memref_slice %arg2[%add3A_392, %dma_start3A_393] : memref<32768x1024xf32, #tpu.memory_space<hbm>> -> memref<32x1024xf32, #tpu.memory_space<hbm>>
    %dma_start3A_395 = arith.constant 0 : i32
    %dma_start3A_396 = tpu.memref_slice %arg2[%add3A_392, %dma_start3A_395] : memref<32768x1024xf32, #tpu.memory_space<hbm>> -> memref<32x1024xf32, #tpu.memory_space<hbm>>
    tpu.enqueue_dma source(%dma_start3A_396 : memref<32x1024xf32, #tpu.memory_space<hbm>>) target(%arg5 : memref<32x1024xf32, #tpu.memory_space<vmem>>) target_semaphore(%arg7 : memref<!tpu.dma_semaphore, #tpu.memory_space<semaphore_mem>>)
    %add3A_397 = arith.constant 512 : i32
    %add3A_398 = arith.addi %mul3A_2, %add3A_397 : i32
    %dma_wait3A_399 = arith.constant 0 : i32
    %dma_wait3A_400 = tpu.memref_slice %arg2[%add3A_398, %dma_wait3A_399] : memref<32768x1024xf32, #tpu.memory_space<hbm>> -> memref<32x1024xf32, #tpu.memory_space<hbm>>
    %dma_wait3A_401 = arith.constant 0 : i32
    %dma_wait3A_402 = tpu.memref_slice %arg2[%add3A_398, %dma_wait3A_401] : memref<32768x1024xf32, #tpu.memory_space<hbm>> -> memref<32x1024xf32, #tpu.memory_space<hbm>>
    tpu.wait_dma2 semaphore(%arg6 : memref<!tpu.dma_semaphore, #tpu.memory_space<semaphore_mem>>) src(%dma_wait3A_402 : memref<32x1024xf32, #tpu.memory_space<hbm>>) dst(%arg4 : memref<32x1024xf32, #tpu.memory_space<vmem>>)
    %add3A_403 = arith.constant 512 : i32
    %add3A_404 = arith.addi %mul3A_2, %add3A_403 : i32
    %dma_start3A_405 = arith.constant 0 : i32
    %dma_start3A_406 = tpu.memref_slice %arg3[%add3A_404, %dma_start3A_405] : memref<32768x1024xf32, #tpu.memory_space<hbm>> -> memref<32x1024xf32, #tpu.memory_space<hbm>>
    %dma_start3A_407 = arith.constant 0 : i32
    %dma_start3A_408 = tpu.memref_slice %arg3[%add3A_404, %dma_start3A_407] : memref<32768x1024xf32, #tpu.memory_space<hbm>> -> memref<32x1024xf32, #tpu.memory_space<hbm>>
    tpu.enqueue_dma source(%arg4 : memref<32x1024xf32, #tpu.memory_space<vmem>>) target(%dma_start3A_408 : memref<32x1024xf32, #tpu.memory_space<hbm>>) target_semaphore(%arg8 : memref<!tpu.dma_semaphore, #tpu.memory_space<semaphore_mem>>)
    %add3A_409 = arith.constant 512 : i32
    %add3A_410 = arith.addi %mul3A_2, %add3A_409 : i32
    %dma_wait3A_411 = arith.constant 0 : i32
    %dma_wait3A_412 = tpu.memref_slice %arg3[%add3A_410, %dma_wait3A_411] : memref<32768x1024xf32, #tpu.memory_space<hbm>> -> memref<32x1024xf32, #tpu.memory_space<hbm>>
    %dma_wait3A_413 = arith.constant 0 : i32
    %dma_wait3A_414 = tpu.memref_slice %arg3[%add3A_410, %dma_wait3A_413] : memref<32768x1024xf32, #tpu.memory_space<hbm>> -> memref<32x1024xf32, #tpu.memory_space<hbm>>
    tpu.wait_dma2 semaphore(%arg8 : memref<!tpu.dma_semaphore, #tpu.memory_space<semaphore_mem>>) src(%arg4 : memref<32x1024xf32, #tpu.memory_space<vmem>>) dst(%dma_wait3A_414 : memref<32x1024xf32, #tpu.memory_space<hbm>>)
    %add3A_415 = arith.constant 576 : i32
    %add3A_416 = arith.addi %mul3A_2, %add3A_415 : i32
    %dma_start3A_417 = arith.constant 0 : i32
    %dma_start3A_418 = tpu.memref_slice %arg2[%add3A_416, %dma_start3A_417] : memref<32768x1024xf32, #tpu.memory_space<hbm>> -> memref<32x1024xf32, #tpu.memory_space<hbm>>
    %dma_start3A_419 = arith.constant 0 : i32
    %dma_start3A_420 = tpu.memref_slice %arg2[%add3A_416, %dma_start3A_419] : memref<32768x1024xf32, #tpu.memory_space<hbm>> -> memref<32x1024xf32, #tpu.memory_space<hbm>>
    tpu.enqueue_dma source(%dma_start3A_420 : memref<32x1024xf32, #tpu.memory_space<hbm>>) target(%arg4 : memref<32x1024xf32, #tpu.memory_space<vmem>>) target_semaphore(%arg6 : memref<!tpu.dma_semaphore, #tpu.memory_space<semaphore_mem>>)
    %add3A_421 = arith.constant 544 : i32
    %add3A_422 = arith.addi %mul3A_2, %add3A_421 : i32
    %dma_wait3A_423 = arith.constant 0 : i32
    %dma_wait3A_424 = tpu.memref_slice %arg2[%add3A_422, %dma_wait3A_423] : memref<32768x1024xf32, #tpu.memory_space<hbm>> -> memref<32x1024xf32, #tpu.memory_space<hbm>>
    %dma_wait3A_425 = arith.constant 0 : i32
    %dma_wait3A_426 = tpu.memref_slice %arg2[%add3A_422, %dma_wait3A_425] : memref<32768x1024xf32, #tpu.memory_space<hbm>> -> memref<32x1024xf32, #tpu.memory_space<hbm>>
    tpu.wait_dma2 semaphore(%arg7 : memref<!tpu.dma_semaphore, #tpu.memory_space<semaphore_mem>>) src(%dma_wait3A_426 : memref<32x1024xf32, #tpu.memory_space<hbm>>) dst(%arg5 : memref<32x1024xf32, #tpu.memory_space<vmem>>)
    %add3A_427 = arith.constant 544 : i32
    %add3A_428 = arith.addi %mul3A_2, %add3A_427 : i32
    %dma_start3A_429 = arith.constant 0 : i32
    %dma_start3A_430 = tpu.memref_slice %arg3[%add3A_428, %dma_start3A_429] : memref<32768x1024xf32, #tpu.memory_space<hbm>> -> memref<32x1024xf32, #tpu.memory_space<hbm>>
    %dma_start3A_431 = arith.constant 0 : i32
    %dma_start3A_432 = tpu.memref_slice %arg3[%add3A_428, %dma_start3A_431] : memref<32768x1024xf32, #tpu.memory_space<hbm>> -> memref<32x1024xf32, #tpu.memory_space<hbm>>
    tpu.enqueue_dma source(%arg5 : memref<32x1024xf32, #tpu.memory_space<vmem>>) target(%dma_start3A_432 : memref<32x1024xf32, #tpu.memory_space<hbm>>) target_semaphore(%arg9 : memref<!tpu.dma_semaphore, #tpu.memory_space<semaphore_mem>>)
    %add3A_433 = arith.constant 544 : i32
    %add3A_434 = arith.addi %mul3A_2, %add3A_433 : i32
    %dma_wait3A_435 = arith.constant 0 : i32
    %dma_wait3A_436 = tpu.memref_slice %arg3[%add3A_434, %dma_wait3A_435] : memref<32768x1024xf32, #tpu.memory_space<hbm>> -> memref<32x1024xf32, #tpu.memory_space<hbm>>
    %dma_wait3A_437 = arith.constant 0 : i32
    %dma_wait3A_438 = tpu.memref_slice %arg3[%add3A_434, %dma_wait3A_437] : memref<32768x1024xf32, #tpu.memory_space<hbm>> -> memref<32x1024xf32, #tpu.memory_space<hbm>>
    tpu.wait_dma2 semaphore(%arg9 : memref<!tpu.dma_semaphore, #tpu.memory_space<semaphore_mem>>) src(%arg5 : memref<32x1024xf32, #tpu.memory_space<vmem>>) dst(%dma_wait3A_438 : memref<32x1024xf32, #tpu.memory_space<hbm>>)
    %add3A_439 = arith.constant 608 : i32
    %add3A_440 = arith.addi %mul3A_2, %add3A_439 : i32
    %dma_start3A_441 = arith.constant 0 : i32
    %dma_start3A_442 = tpu.memref_slice %arg2[%add3A_440, %dma_start3A_441] : memref<32768x1024xf32, #tpu.memory_space<hbm>> -> memref<32x1024xf32, #tpu.memory_space<hbm>>
    %dma_start3A_443 = arith.constant 0 : i32
    %dma_start3A_444 = tpu.memref_slice %arg2[%add3A_440, %dma_start3A_443] : memref<32768x1024xf32, #tpu.memory_space<hbm>> -> memref<32x1024xf32, #tpu.memory_space<hbm>>
    tpu.enqueue_dma source(%dma_start3A_444 : memref<32x1024xf32, #tpu.memory_space<hbm>>) target(%arg5 : memref<32x1024xf32, #tpu.memory_space<vmem>>) target_semaphore(%arg7 : memref<!tpu.dma_semaphore, #tpu.memory_space<semaphore_mem>>)
    %add3A_445 = arith.constant 576 : i32
    %add3A_446 = arith.addi %mul3A_2, %add3A_445 : i32
    %dma_wait3A_447 = arith.constant 0 : i32
    %dma_wait3A_448 = tpu.memref_slice %arg2[%add3A_446, %dma_wait3A_447] : memref<32768x1024xf32, #tpu.memory_space<hbm>> -> memref<32x1024xf32, #tpu.memory_space<hbm>>
    %dma_wait3A_449 = arith.constant 0 : i32
    %dma_wait3A_450 = tpu.memref_slice %arg2[%add3A_446, %dma_wait3A_449] : memref<32768x1024xf32, #tpu.memory_space<hbm>> -> memref<32x1024xf32, #tpu.memory_space<hbm>>
    tpu.wait_dma2 semaphore(%arg6 : memref<!tpu.dma_semaphore, #tpu.memory_space<semaphore_mem>>) src(%dma_wait3A_450 : memref<32x1024xf32, #tpu.memory_space<hbm>>) dst(%arg4 : memref<32x1024xf32, #tpu.memory_space<vmem>>)
    %add3A_451 = arith.constant 576 : i32
    %add3A_452 = arith.addi %mul3A_2, %add3A_451 : i32
    %dma_start3A_453 = arith.constant 0 : i32
    %dma_start3A_454 = tpu.memref_slice %arg3[%add3A_452, %dma_start3A_453] : memref<32768x1024xf32, #tpu.memory_space<hbm>> -> memref<32x1024xf32, #tpu.memory_space<hbm>>
    %dma_start3A_455 = arith.constant 0 : i32
    %dma_start3A_456 = tpu.memref_slice %arg3[%add3A_452, %dma_start3A_455] : memref<32768x1024xf32, #tpu.memory_space<hbm>> -> memref<32x1024xf32, #tpu.memory_space<hbm>>
    tpu.enqueue_dma source(%arg4 : memref<32x1024xf32, #tpu.memory_space<vmem>>) target(%dma_start3A_456 : memref<32x1024xf32, #tpu.memory_space<hbm>>) target_semaphore(%arg8 : memref<!tpu.dma_semaphore, #tpu.memory_space<semaphore_mem>>)
    %add3A_457 = arith.constant 576 : i32
    %add3A_458 = arith.addi %mul3A_2, %add3A_457 : i32
    %dma_wait3A_459 = arith.constant 0 : i32
    %dma_wait3A_460 = tpu.memref_slice %arg3[%add3A_458, %dma_wait3A_459] : memref<32768x1024xf32, #tpu.memory_space<hbm>> -> memref<32x1024xf32, #tpu.memory_space<hbm>>
    %dma_wait3A_461 = arith.constant 0 : i32
    %dma_wait3A_462 = tpu.memref_slice %arg3[%add3A_458, %dma_wait3A_461] : memref<32768x1024xf32, #tpu.memory_space<hbm>> -> memref<32x1024xf32, #tpu.memory_space<hbm>>
    tpu.wait_dma2 semaphore(%arg8 : memref<!tpu.dma_semaphore, #tpu.memory_space<semaphore_mem>>) src(%arg4 : memref<32x1024xf32, #tpu.memory_space<vmem>>) dst(%dma_wait3A_462 : memref<32x1024xf32, #tpu.memory_space<hbm>>)
    %add3A_463 = arith.constant 640 : i32
    %add3A_464 = arith.addi %mul3A_2, %add3A_463 : i32
    %dma_start3A_465 = arith.constant 0 : i32
    %dma_start3A_466 = tpu.memref_slice %arg2[%add3A_464, %dma_start3A_465] : memref<32768x1024xf32, #tpu.memory_space<hbm>> -> memref<32x1024xf32, #tpu.memory_space<hbm>>
    %dma_start3A_467 = arith.constant 0 : i32
    %dma_start3A_468 = tpu.memref_slice %arg2[%add3A_464, %dma_start3A_467] : memref<32768x1024xf32, #tpu.memory_space<hbm>> -> memref<32x1024xf32, #tpu.memory_space<hbm>>
    tpu.enqueue_dma source(%dma_start3A_468 : memref<32x1024xf32, #tpu.memory_space<hbm>>) target(%arg4 : memref<32x1024xf32, #tpu.memory_space<vmem>>) target_semaphore(%arg6 : memref<!tpu.dma_semaphore, #tpu.memory_space<semaphore_mem>>)
    %add3A_469 = arith.constant 608 : i32
    %add3A_470 = arith.addi %mul3A_2, %add3A_469 : i32
    %dma_wait3A_471 = arith.constant 0 : i32
    %dma_wait3A_472 = tpu.memref_slice %arg2[%add3A_470, %dma_wait3A_471] : memref<32768x1024xf32, #tpu.memory_space<hbm>> -> memref<32x1024xf32, #tpu.memory_space<hbm>>
    %dma_wait3A_473 = arith.constant 0 : i32
    %dma_wait3A_474 = tpu.memref_slice %arg2[%add3A_470, %dma_wait3A_473] : memref<32768x1024xf32, #tpu.memory_space<hbm>> -> memref<32x1024xf32, #tpu.memory_space<hbm>>
    tpu.wait_dma2 semaphore(%arg7 : memref<!tpu.dma_semaphore, #tpu.memory_space<semaphore_mem>>) src(%dma_wait3A_474 : memref<32x1024xf32, #tpu.memory_space<hbm>>) dst(%arg5 : memref<32x1024xf32, #tpu.memory_space<vmem>>)
    %add3A_475 = arith.constant 608 : i32
    %add3A_476 = arith.addi %mul3A_2, %add3A_475 : i32
    %dma_start3A_477 = arith.constant 0 : i32
    %dma_start3A_478 = tpu.memref_slice %arg3[%add3A_476, %dma_start3A_477] : memref<32768x1024xf32, #tpu.memory_space<hbm>> -> memref<32x1024xf32, #tpu.memory_space<hbm>>
    %dma_start3A_479 = arith.constant 0 : i32
    %dma_start3A_480 = tpu.memref_slice %arg3[%add3A_476, %dma_start3A_479] : memref<32768x1024xf32, #tpu.memory_space<hbm>> -> memref<32x1024xf32, #tpu.memory_space<hbm>>
    tpu.enqueue_dma source(%arg5 : memref<32x1024xf32, #tpu.memory_space<vmem>>) target(%dma_start3A_480 : memref<32x1024xf32, #tpu.memory_space<hbm>>) target_semaphore(%arg9 : memref<!tpu.dma_semaphore, #tpu.memory_space<semaphore_mem>>)
    %add3A_481 = arith.constant 608 : i32
    %add3A_482 = arith.addi %mul3A_2, %add3A_481 : i32
    %dma_wait3A_483 = arith.constant 0 : i32
    %dma_wait3A_484 = tpu.memref_slice %arg3[%add3A_482, %dma_wait3A_483] : memref<32768x1024xf32, #tpu.memory_space<hbm>> -> memref<32x1024xf32, #tpu.memory_space<hbm>>
    %dma_wait3A_485 = arith.constant 0 : i32
    %dma_wait3A_486 = tpu.memref_slice %arg3[%add3A_482, %dma_wait3A_485] : memref<32768x1024xf32, #tpu.memory_space<hbm>> -> memref<32x1024xf32, #tpu.memory_space<hbm>>
    tpu.wait_dma2 semaphore(%arg9 : memref<!tpu.dma_semaphore, #tpu.memory_space<semaphore_mem>>) src(%arg5 : memref<32x1024xf32, #tpu.memory_space<vmem>>) dst(%dma_wait3A_486 : memref<32x1024xf32, #tpu.memory_space<hbm>>)
    %add3A_487 = arith.constant 672 : i32
    %add3A_488 = arith.addi %mul3A_2, %add3A_487 : i32
    %dma_start3A_489 = arith.constant 0 : i32
    %dma_start3A_490 = tpu.memref_slice %arg2[%add3A_488, %dma_start3A_489] : memref<32768x1024xf32, #tpu.memory_space<hbm>> -> memref<32x1024xf32, #tpu.memory_space<hbm>>
    %dma_start3A_491 = arith.constant 0 : i32
    %dma_start3A_492 = tpu.memref_slice %arg2[%add3A_488, %dma_start3A_491] : memref<32768x1024xf32, #tpu.memory_space<hbm>> -> memref<32x1024xf32, #tpu.memory_space<hbm>>
    tpu.enqueue_dma source(%dma_start3A_492 : memref<32x1024xf32, #tpu.memory_space<hbm>>) target(%arg5 : memref<32x1024xf32, #tpu.memory_space<vmem>>) target_semaphore(%arg7 : memref<!tpu.dma_semaphore, #tpu.memory_space<semaphore_mem>>)
    %add3A_493 = arith.constant 640 : i32
    %add3A_494 = arith.addi %mul3A_2, %add3A_493 : i32
    %dma_wait3A_495 = arith.constant 0 : i32
    %dma_wait3A_496 = tpu.memref_slice %arg2[%add3A_494, %dma_wait3A_495] : memref<32768x1024xf32, #tpu.memory_space<hbm>> -> memref<32x1024xf32, #tpu.memory_space<hbm>>
    %dma_wait3A_497 = arith.constant 0 : i32
    %dma_wait3A_498 = tpu.memref_slice %arg2[%add3A_494, %dma_wait3A_497] : memref<32768x1024xf32, #tpu.memory_space<hbm>> -> memref<32x1024xf32, #tpu.memory_space<hbm>>
    tpu.wait_dma2 semaphore(%arg6 : memref<!tpu.dma_semaphore, #tpu.memory_space<semaphore_mem>>) src(%dma_wait3A_498 : memref<32x1024xf32, #tpu.memory_space<hbm>>) dst(%arg4 : memref<32x1024xf32, #tpu.memory_space<vmem>>)
    %add3A_499 = arith.constant 640 : i32
    %add3A_500 = arith.addi %mul3A_2, %add3A_499 : i32
    %dma_start3A_501 = arith.constant 0 : i32
    %dma_start3A_502 = tpu.memref_slice %arg3[%add3A_500, %dma_start3A_501] : memref<32768x1024xf32, #tpu.memory_space<hbm>> -> memref<32x1024xf32, #tpu.memory_space<hbm>>
    %dma_start3A_503 = arith.constant 0 : i32
    %dma_start3A_504 = tpu.memref_slice %arg3[%add3A_500, %dma_start3A_503] : memref<32768x1024xf32, #tpu.memory_space<hbm>> -> memref<32x1024xf32, #tpu.memory_space<hbm>>
    tpu.enqueue_dma source(%arg4 : memref<32x1024xf32, #tpu.memory_space<vmem>>) target(%dma_start3A_504 : memref<32x1024xf32, #tpu.memory_space<hbm>>) target_semaphore(%arg8 : memref<!tpu.dma_semaphore, #tpu.memory_space<semaphore_mem>>)
    %add3A_505 = arith.constant 640 : i32
    %add3A_506 = arith.addi %mul3A_2, %add3A_505 : i32
    %dma_wait3A_507 = arith.constant 0 : i32
    %dma_wait3A_508 = tpu.memref_slice %arg3[%add3A_506, %dma_wait3A_507] : memref<32768x1024xf32, #tpu.memory_space<hbm>> -> memref<32x1024xf32, #tpu.memory_space<hbm>>
    %dma_wait3A_509 = arith.constant 0 : i32
    %dma_wait3A_510 = tpu.memref_slice %arg3[%add3A_506, %dma_wait3A_509] : memref<32768x1024xf32, #tpu.memory_space<hbm>> -> memref<32x1024xf32, #tpu.memory_space<hbm>>
    tpu.wait_dma2 semaphore(%arg8 : memref<!tpu.dma_semaphore, #tpu.memory_space<semaphore_mem>>) src(%arg4 : memref<32x1024xf32, #tpu.memory_space<vmem>>) dst(%dma_wait3A_510 : memref<32x1024xf32, #tpu.memory_space<hbm>>)
    %add3A_511 = arith.constant 704 : i32
    %add3A_512 = arith.addi %mul3A_2, %add3A_511 : i32
    %dma_start3A_513 = arith.constant 0 : i32
    %dma_start3A_514 = tpu.memref_slice %arg2[%add3A_512, %dma_start3A_513] : memref<32768x1024xf32, #tpu.memory_space<hbm>> -> memref<32x1024xf32, #tpu.memory_space<hbm>>
    %dma_start3A_515 = arith.constant 0 : i32
    %dma_start3A_516 = tpu.memref_slice %arg2[%add3A_512, %dma_start3A_515] : memref<32768x1024xf32, #tpu.memory_space<hbm>> -> memref<32x1024xf32, #tpu.memory_space<hbm>>
    tpu.enqueue_dma source(%dma_start3A_516 : memref<32x1024xf32, #tpu.memory_space<hbm>>) target(%arg4 : memref<32x1024xf32, #tpu.memory_space<vmem>>) target_semaphore(%arg6 : memref<!tpu.dma_semaphore, #tpu.memory_space<semaphore_mem>>)
    %add3A_517 = arith.constant 672 : i32
    %add3A_518 = arith.addi %mul3A_2, %add3A_517 : i32
    %dma_wait3A_519 = arith.constant 0 : i32
    %dma_wait3A_520 = tpu.memref_slice %arg2[%add3A_518, %dma_wait3A_519] : memref<32768x1024xf32, #tpu.memory_space<hbm>> -> memref<32x1024xf32, #tpu.memory_space<hbm>>
    %dma_wait3A_521 = arith.constant 0 : i32
    %dma_wait3A_522 = tpu.memref_slice %arg2[%add3A_518, %dma_wait3A_521] : memref<32768x1024xf32, #tpu.memory_space<hbm>> -> memref<32x1024xf32, #tpu.memory_space<hbm>>
    tpu.wait_dma2 semaphore(%arg7 : memref<!tpu.dma_semaphore, #tpu.memory_space<semaphore_mem>>) src(%dma_wait3A_522 : memref<32x1024xf32, #tpu.memory_space<hbm>>) dst(%arg5 : memref<32x1024xf32, #tpu.memory_space<vmem>>)
    %add3A_523 = arith.constant 672 : i32
    %add3A_524 = arith.addi %mul3A_2, %add3A_523 : i32
    %dma_start3A_525 = arith.constant 0 : i32
    %dma_start3A_526 = tpu.memref_slice %arg3[%add3A_524, %dma_start3A_525] : memref<32768x1024xf32, #tpu.memory_space<hbm>> -> memref<32x1024xf32, #tpu.memory_space<hbm>>
    %dma_start3A_527 = arith.constant 0 : i32
    %dma_start3A_528 = tpu.memref_slice %arg3[%add3A_524, %dma_start3A_527] : memref<32768x1024xf32, #tpu.memory_space<hbm>> -> memref<32x1024xf32, #tpu.memory_space<hbm>>
    tpu.enqueue_dma source(%arg5 : memref<32x1024xf32, #tpu.memory_space<vmem>>) target(%dma_start3A_528 : memref<32x1024xf32, #tpu.memory_space<hbm>>) target_semaphore(%arg9 : memref<!tpu.dma_semaphore, #tpu.memory_space<semaphore_mem>>)
    %add3A_529 = arith.constant 672 : i32
    %add3A_530 = arith.addi %mul3A_2, %add3A_529 : i32
    %dma_wait3A_531 = arith.constant 0 : i32
    %dma_wait3A_532 = tpu.memref_slice %arg3[%add3A_530, %dma_wait3A_531] : memref<32768x1024xf32, #tpu.memory_space<hbm>> -> memref<32x1024xf32, #tpu.memory_space<hbm>>
    %dma_wait3A_533 = arith.constant 0 : i32
    %dma_wait3A_534 = tpu.memref_slice %arg3[%add3A_530, %dma_wait3A_533] : memref<32768x1024xf32, #tpu.memory_space<hbm>> -> memref<32x1024xf32, #tpu.memory_space<hbm>>
    tpu.wait_dma2 semaphore(%arg9 : memref<!tpu.dma_semaphore, #tpu.memory_space<semaphore_mem>>) src(%arg5 : memref<32x1024xf32, #tpu.memory_space<vmem>>) dst(%dma_wait3A_534 : memref<32x1024xf32, #tpu.memory_space<hbm>>)
    %add3A_535 = arith.constant 736 : i32
    %add3A_536 = arith.addi %mul3A_2, %add3A_535 : i32
    %dma_start3A_537 = arith.constant 0 : i32
    %dma_start3A_538 = tpu.memref_slice %arg2[%add3A_536, %dma_start3A_537] : memref<32768x1024xf32, #tpu.memory_space<hbm>> -> memref<32x1024xf32, #tpu.memory_space<hbm>>
    %dma_start3A_539 = arith.constant 0 : i32
    %dma_start3A_540 = tpu.memref_slice %arg2[%add3A_536, %dma_start3A_539] : memref<32768x1024xf32, #tpu.memory_space<hbm>> -> memref<32x1024xf32, #tpu.memory_space<hbm>>
    tpu.enqueue_dma source(%dma_start3A_540 : memref<32x1024xf32, #tpu.memory_space<hbm>>) target(%arg5 : memref<32x1024xf32, #tpu.memory_space<vmem>>) target_semaphore(%arg7 : memref<!tpu.dma_semaphore, #tpu.memory_space<semaphore_mem>>)
    %add3A_541 = arith.constant 704 : i32
    %add3A_542 = arith.addi %mul3A_2, %add3A_541 : i32
    %dma_wait3A_543 = arith.constant 0 : i32
    %dma_wait3A_544 = tpu.memref_slice %arg2[%add3A_542, %dma_wait3A_543] : memref<32768x1024xf32, #tpu.memory_space<hbm>> -> memref<32x1024xf32, #tpu.memory_space<hbm>>
    %dma_wait3A_545 = arith.constant 0 : i32
    %dma_wait3A_546 = tpu.memref_slice %arg2[%add3A_542, %dma_wait3A_545] : memref<32768x1024xf32, #tpu.memory_space<hbm>> -> memref<32x1024xf32, #tpu.memory_space<hbm>>
    tpu.wait_dma2 semaphore(%arg6 : memref<!tpu.dma_semaphore, #tpu.memory_space<semaphore_mem>>) src(%dma_wait3A_546 : memref<32x1024xf32, #tpu.memory_space<hbm>>) dst(%arg4 : memref<32x1024xf32, #tpu.memory_space<vmem>>)
    %add3A_547 = arith.constant 704 : i32
    %add3A_548 = arith.addi %mul3A_2, %add3A_547 : i32
    %dma_start3A_549 = arith.constant 0 : i32
    %dma_start3A_550 = tpu.memref_slice %arg3[%add3A_548, %dma_start3A_549] : memref<32768x1024xf32, #tpu.memory_space<hbm>> -> memref<32x1024xf32, #tpu.memory_space<hbm>>
    %dma_start3A_551 = arith.constant 0 : i32
    %dma_start3A_552 = tpu.memref_slice %arg3[%add3A_548, %dma_start3A_551] : memref<32768x1024xf32, #tpu.memory_space<hbm>> -> memref<32x1024xf32, #tpu.memory_space<hbm>>
    tpu.enqueue_dma source(%arg4 : memref<32x1024xf32, #tpu.memory_space<vmem>>) target(%dma_start3A_552 : memref<32x1024xf32, #tpu.memory_space<hbm>>) target_semaphore(%arg8 : memref<!tpu.dma_semaphore, #tpu.memory_space<semaphore_mem>>)
    %add3A_553 = arith.constant 704 : i32
    %add3A_554 = arith.addi %mul3A_2, %add3A_553 : i32
    %dma_wait3A_555 = arith.constant 0 : i32
    %dma_wait3A_556 = tpu.memref_slice %arg3[%add3A_554, %dma_wait3A_555] : memref<32768x1024xf32, #tpu.memory_space<hbm>> -> memref<32x1024xf32, #tpu.memory_space<hbm>>
    %dma_wait3A_557 = arith.constant 0 : i32
    %dma_wait3A_558 = tpu.memref_slice %arg3[%add3A_554, %dma_wait3A_557] : memref<32768x1024xf32, #tpu.memory_space<hbm>> -> memref<32x1024xf32, #tpu.memory_space<hbm>>
    tpu.wait_dma2 semaphore(%arg8 : memref<!tpu.dma_semaphore, #tpu.memory_space<semaphore_mem>>) src(%arg4 : memref<32x1024xf32, #tpu.memory_space<vmem>>) dst(%dma_wait3A_558 : memref<32x1024xf32, #tpu.memory_space<hbm>>)
    %add3A_559 = arith.constant 768 : i32
    %add3A_560 = arith.addi %mul3A_2, %add3A_559 : i32
    %dma_start3A_561 = arith.constant 0 : i32
    %dma_start3A_562 = tpu.memref_slice %arg2[%add3A_560, %dma_start3A_561] : memref<32768x1024xf32, #tpu.memory_space<hbm>> -> memref<32x1024xf32, #tpu.memory_space<hbm>>
    %dma_start3A_563 = arith.constant 0 : i32
    %dma_start3A_564 = tpu.memref_slice %arg2[%add3A_560, %dma_start3A_563] : memref<32768x1024xf32, #tpu.memory_space<hbm>> -> memref<32x1024xf32, #tpu.memory_space<hbm>>
    tpu.enqueue_dma source(%dma_start3A_564 : memref<32x1024xf32, #tpu.memory_space<hbm>>) target(%arg4 : memref<32x1024xf32, #tpu.memory_space<vmem>>) target_semaphore(%arg6 : memref<!tpu.dma_semaphore, #tpu.memory_space<semaphore_mem>>)
    %add3A_565 = arith.constant 736 : i32
    %add3A_566 = arith.addi %mul3A_2, %add3A_565 : i32
    %dma_wait3A_567 = arith.constant 0 : i32
    %dma_wait3A_568 = tpu.memref_slice %arg2[%add3A_566, %dma_wait3A_567] : memref<32768x1024xf32, #tpu.memory_space<hbm>> -> memref<32x1024xf32, #tpu.memory_space<hbm>>
    %dma_wait3A_569 = arith.constant 0 : i32
    %dma_wait3A_570 = tpu.memref_slice %arg2[%add3A_566, %dma_wait3A_569] : memref<32768x1024xf32, #tpu.memory_space<hbm>> -> memref<32x1024xf32, #tpu.memory_space<hbm>>
    tpu.wait_dma2 semaphore(%arg7 : memref<!tpu.dma_semaphore, #tpu.memory_space<semaphore_mem>>) src(%dma_wait3A_570 : memref<32x1024xf32, #tpu.memory_space<hbm>>) dst(%arg5 : memref<32x1024xf32, #tpu.memory_space<vmem>>)
    %add3A_571 = arith.constant 736 : i32
    %add3A_572 = arith.addi %mul3A_2, %add3A_571 : i32
    %dma_start3A_573 = arith.constant 0 : i32
    %dma_start3A_574 = tpu.memref_slice %arg3[%add3A_572, %dma_start3A_573] : memref<32768x1024xf32, #tpu.memory_space<hbm>> -> memref<32x1024xf32, #tpu.memory_space<hbm>>
    %dma_start3A_575 = arith.constant 0 : i32
    %dma_start3A_576 = tpu.memref_slice %arg3[%add3A_572, %dma_start3A_575] : memref<32768x1024xf32, #tpu.memory_space<hbm>> -> memref<32x1024xf32, #tpu.memory_space<hbm>>
    tpu.enqueue_dma source(%arg5 : memref<32x1024xf32, #tpu.memory_space<vmem>>) target(%dma_start3A_576 : memref<32x1024xf32, #tpu.memory_space<hbm>>) target_semaphore(%arg9 : memref<!tpu.dma_semaphore, #tpu.memory_space<semaphore_mem>>)
    %add3A_577 = arith.constant 736 : i32
    %add3A_578 = arith.addi %mul3A_2, %add3A_577 : i32
    %dma_wait3A_579 = arith.constant 0 : i32
    %dma_wait3A_580 = tpu.memref_slice %arg3[%add3A_578, %dma_wait3A_579] : memref<32768x1024xf32, #tpu.memory_space<hbm>> -> memref<32x1024xf32, #tpu.memory_space<hbm>>
    %dma_wait3A_581 = arith.constant 0 : i32
    %dma_wait3A_582 = tpu.memref_slice %arg3[%add3A_578, %dma_wait3A_581] : memref<32768x1024xf32, #tpu.memory_space<hbm>> -> memref<32x1024xf32, #tpu.memory_space<hbm>>
    tpu.wait_dma2 semaphore(%arg9 : memref<!tpu.dma_semaphore, #tpu.memory_space<semaphore_mem>>) src(%arg5 : memref<32x1024xf32, #tpu.memory_space<vmem>>) dst(%dma_wait3A_582 : memref<32x1024xf32, #tpu.memory_space<hbm>>)
    %add3A_583 = arith.constant 800 : i32
    %add3A_584 = arith.addi %mul3A_2, %add3A_583 : i32
    %dma_start3A_585 = arith.constant 0 : i32
    %dma_start3A_586 = tpu.memref_slice %arg2[%add3A_584, %dma_start3A_585] : memref<32768x1024xf32, #tpu.memory_space<hbm>> -> memref<32x1024xf32, #tpu.memory_space<hbm>>
    %dma_start3A_587 = arith.constant 0 : i32
    %dma_start3A_588 = tpu.memref_slice %arg2[%add3A_584, %dma_start3A_587] : memref<32768x1024xf32, #tpu.memory_space<hbm>> -> memref<32x1024xf32, #tpu.memory_space<hbm>>
    tpu.enqueue_dma source(%dma_start3A_588 : memref<32x1024xf32, #tpu.memory_space<hbm>>) target(%arg5 : memref<32x1024xf32, #tpu.memory_space<vmem>>) target_semaphore(%arg7 : memref<!tpu.dma_semaphore, #tpu.memory_space<semaphore_mem>>)
    %add3A_589 = arith.constant 768 : i32
    %add3A_590 = arith.addi %mul3A_2, %add3A_589 : i32
    %dma_wait3A_591 = arith.constant 0 : i32
    %dma_wait3A_592 = tpu.memref_slice %arg2[%add3A_590, %dma_wait3A_591] : memref<32768x1024xf32, #tpu.memory_space<hbm>> -> memref<32x1024xf32, #tpu.memory_space<hbm>>
    %dma_wait3A_593 = arith.constant 0 : i32
    %dma_wait3A_594 = tpu.memref_slice %arg2[%add3A_590, %dma_wait3A_593] : memref<32768x1024xf32, #tpu.memory_space<hbm>> -> memref<32x1024xf32, #tpu.memory_space<hbm>>
    tpu.wait_dma2 semaphore(%arg6 : memref<!tpu.dma_semaphore, #tpu.memory_space<semaphore_mem>>) src(%dma_wait3A_594 : memref<32x1024xf32, #tpu.memory_space<hbm>>) dst(%arg4 : memref<32x1024xf32, #tpu.memory_space<vmem>>)
    %add3A_595 = arith.constant 768 : i32
    %add3A_596 = arith.addi %mul3A_2, %add3A_595 : i32
    %dma_start3A_597 = arith.constant 0 : i32
    %dma_start3A_598 = tpu.memref_slice %arg3[%add3A_596, %dma_start3A_597] : memref<32768x1024xf32, #tpu.memory_space<hbm>> -> memref<32x1024xf32, #tpu.memory_space<hbm>>
    %dma_start3A_599 = arith.constant 0 : i32
    %dma_start3A_600 = tpu.memref_slice %arg3[%add3A_596, %dma_start3A_599] : memref<32768x1024xf32, #tpu.memory_space<hbm>> -> memref<32x1024xf32, #tpu.memory_space<hbm>>
    tpu.enqueue_dma source(%arg4 : memref<32x1024xf32, #tpu.memory_space<vmem>>) target(%dma_start3A_600 : memref<32x1024xf32, #tpu.memory_space<hbm>>) target_semaphore(%arg8 : memref<!tpu.dma_semaphore, #tpu.memory_space<semaphore_mem>>)
    %add3A_601 = arith.constant 768 : i32
    %add3A_602 = arith.addi %mul3A_2, %add3A_601 : i32
    %dma_wait3A_603 = arith.constant 0 : i32
    %dma_wait3A_604 = tpu.memref_slice %arg3[%add3A_602, %dma_wait3A_603] : memref<32768x1024xf32, #tpu.memory_space<hbm>> -> memref<32x1024xf32, #tpu.memory_space<hbm>>
    %dma_wait3A_605 = arith.constant 0 : i32
    %dma_wait3A_606 = tpu.memref_slice %arg3[%add3A_602, %dma_wait3A_605] : memref<32768x1024xf32, #tpu.memory_space<hbm>> -> memref<32x1024xf32, #tpu.memory_space<hbm>>
    tpu.wait_dma2 semaphore(%arg8 : memref<!tpu.dma_semaphore, #tpu.memory_space<semaphore_mem>>) src(%arg4 : memref<32x1024xf32, #tpu.memory_space<vmem>>) dst(%dma_wait3A_606 : memref<32x1024xf32, #tpu.memory_space<hbm>>)
    %add3A_607 = arith.constant 832 : i32
    %add3A_608 = arith.addi %mul3A_2, %add3A_607 : i32
    %dma_start3A_609 = arith.constant 0 : i32
    %dma_start3A_610 = tpu.memref_slice %arg2[%add3A_608, %dma_start3A_609] : memref<32768x1024xf32, #tpu.memory_space<hbm>> -> memref<32x1024xf32, #tpu.memory_space<hbm>>
    %dma_start3A_611 = arith.constant 0 : i32
    %dma_start3A_612 = tpu.memref_slice %arg2[%add3A_608, %dma_start3A_611] : memref<32768x1024xf32, #tpu.memory_space<hbm>> -> memref<32x1024xf32, #tpu.memory_space<hbm>>
    tpu.enqueue_dma source(%dma_start3A_612 : memref<32x1024xf32, #tpu.memory_space<hbm>>) target(%arg4 : memref<32x1024xf32, #tpu.memory_space<vmem>>) target_semaphore(%arg6 : memref<!tpu.dma_semaphore, #tpu.memory_space<semaphore_mem>>)
    %add3A_613 = arith.constant 800 : i32
    %add3A_614 = arith.addi %mul3A_2, %add3A_613 : i32
    %dma_wait3A_615 = arith.constant 0 : i32
    %dma_wait3A_616 = tpu.memref_slice %arg2[%add3A_614, %dma_wait3A_615] : memref<32768x1024xf32, #tpu.memory_space<hbm>> -> memref<32x1024xf32, #tpu.memory_space<hbm>>
    %dma_wait3A_617 = arith.constant 0 : i32
    %dma_wait3A_618 = tpu.memref_slice %arg2[%add3A_614, %dma_wait3A_617] : memref<32768x1024xf32, #tpu.memory_space<hbm>> -> memref<32x1024xf32, #tpu.memory_space<hbm>>
    tpu.wait_dma2 semaphore(%arg7 : memref<!tpu.dma_semaphore, #tpu.memory_space<semaphore_mem>>) src(%dma_wait3A_618 : memref<32x1024xf32, #tpu.memory_space<hbm>>) dst(%arg5 : memref<32x1024xf32, #tpu.memory_space<vmem>>)
    %add3A_619 = arith.constant 800 : i32
    %add3A_620 = arith.addi %mul3A_2, %add3A_619 : i32
    %dma_start3A_621 = arith.constant 0 : i32
    %dma_start3A_622 = tpu.memref_slice %arg3[%add3A_620, %dma_start3A_621] : memref<32768x1024xf32, #tpu.memory_space<hbm>> -> memref<32x1024xf32, #tpu.memory_space<hbm>>
    %dma_start3A_623 = arith.constant 0 : i32
    %dma_start3A_624 = tpu.memref_slice %arg3[%add3A_620, %dma_start3A_623] : memref<32768x1024xf32, #tpu.memory_space<hbm>> -> memref<32x1024xf32, #tpu.memory_space<hbm>>
    tpu.enqueue_dma source(%arg5 : memref<32x1024xf32, #tpu.memory_space<vmem>>) target(%dma_start3A_624 : memref<32x1024xf32, #tpu.memory_space<hbm>>) target_semaphore(%arg9 : memref<!tpu.dma_semaphore, #tpu.memory_space<semaphore_mem>>)
    %add3A_625 = arith.constant 800 : i32
    %add3A_626 = arith.addi %mul3A_2, %add3A_625 : i32
    %dma_wait3A_627 = arith.constant 0 : i32
    %dma_wait3A_628 = tpu.memref_slice %arg3[%add3A_626, %dma_wait3A_627] : memref<32768x1024xf32, #tpu.memory_space<hbm>> -> memref<32x1024xf32, #tpu.memory_space<hbm>>
    %dma_wait3A_629 = arith.constant 0 : i32
    %dma_wait3A_630 = tpu.memref_slice %arg3[%add3A_626, %dma_wait3A_629] : memref<32768x1024xf32, #tpu.memory_space<hbm>> -> memref<32x1024xf32, #tpu.memory_space<hbm>>
    tpu.wait_dma2 semaphore(%arg9 : memref<!tpu.dma_semaphore, #tpu.memory_space<semaphore_mem>>) src(%arg5 : memref<32x1024xf32, #tpu.memory_space<vmem>>) dst(%dma_wait3A_630 : memref<32x1024xf32, #tpu.memory_space<hbm>>)
    %add3A_631 = arith.constant 864 : i32
    %add3A_632 = arith.addi %mul3A_2, %add3A_631 : i32
    %dma_start3A_633 = arith.constant 0 : i32
    %dma_start3A_634 = tpu.memref_slice %arg2[%add3A_632, %dma_start3A_633] : memref<32768x1024xf32, #tpu.memory_space<hbm>> -> memref<32x1024xf32, #tpu.memory_space<hbm>>
    %dma_start3A_635 = arith.constant 0 : i32
    %dma_start3A_636 = tpu.memref_slice %arg2[%add3A_632, %dma_start3A_635] : memref<32768x1024xf32, #tpu.memory_space<hbm>> -> memref<32x1024xf32, #tpu.memory_space<hbm>>
    tpu.enqueue_dma source(%dma_start3A_636 : memref<32x1024xf32, #tpu.memory_space<hbm>>) target(%arg5 : memref<32x1024xf32, #tpu.memory_space<vmem>>) target_semaphore(%arg7 : memref<!tpu.dma_semaphore, #tpu.memory_space<semaphore_mem>>)
    %add3A_637 = arith.constant 832 : i32
    %add3A_638 = arith.addi %mul3A_2, %add3A_637 : i32
    %dma_wait3A_639 = arith.constant 0 : i32
    %dma_wait3A_640 = tpu.memref_slice %arg2[%add3A_638, %dma_wait3A_639] : memref<32768x1024xf32, #tpu.memory_space<hbm>> -> memref<32x1024xf32, #tpu.memory_space<hbm>>
    %dma_wait3A_641 = arith.constant 0 : i32
    %dma_wait3A_642 = tpu.memref_slice %arg2[%add3A_638, %dma_wait3A_641] : memref<32768x1024xf32, #tpu.memory_space<hbm>> -> memref<32x1024xf32, #tpu.memory_space<hbm>>
    tpu.wait_dma2 semaphore(%arg6 : memref<!tpu.dma_semaphore, #tpu.memory_space<semaphore_mem>>) src(%dma_wait3A_642 : memref<32x1024xf32, #tpu.memory_space<hbm>>) dst(%arg4 : memref<32x1024xf32, #tpu.memory_space<vmem>>)
    %add3A_643 = arith.constant 832 : i32
    %add3A_644 = arith.addi %mul3A_2, %add3A_643 : i32
    %dma_start3A_645 = arith.constant 0 : i32
    %dma_start3A_646 = tpu.memref_slice %arg3[%add3A_644, %dma_start3A_645] : memref<32768x1024xf32, #tpu.memory_space<hbm>> -> memref<32x1024xf32, #tpu.memory_space<hbm>>
    %dma_start3A_647 = arith.constant 0 : i32
    %dma_start3A_648 = tpu.memref_slice %arg3[%add3A_644, %dma_start3A_647] : memref<32768x1024xf32, #tpu.memory_space<hbm>> -> memref<32x1024xf32, #tpu.memory_space<hbm>>
    tpu.enqueue_dma source(%arg4 : memref<32x1024xf32, #tpu.memory_space<vmem>>) target(%dma_start3A_648 : memref<32x1024xf32, #tpu.memory_space<hbm>>) target_semaphore(%arg8 : memref<!tpu.dma_semaphore, #tpu.memory_space<semaphore_mem>>)
    %add3A_649 = arith.constant 832 : i32
    %add3A_650 = arith.addi %mul3A_2, %add3A_649 : i32
    %dma_wait3A_651 = arith.constant 0 : i32
    %dma_wait3A_652 = tpu.memref_slice %arg3[%add3A_650, %dma_wait3A_651] : memref<32768x1024xf32, #tpu.memory_space<hbm>> -> memref<32x1024xf32, #tpu.memory_space<hbm>>
    %dma_wait3A_653 = arith.constant 0 : i32
    %dma_wait3A_654 = tpu.memref_slice %arg3[%add3A_650, %dma_wait3A_653] : memref<32768x1024xf32, #tpu.memory_space<hbm>> -> memref<32x1024xf32, #tpu.memory_space<hbm>>
    tpu.wait_dma2 semaphore(%arg8 : memref<!tpu.dma_semaphore, #tpu.memory_space<semaphore_mem>>) src(%arg4 : memref<32x1024xf32, #tpu.memory_space<vmem>>) dst(%dma_wait3A_654 : memref<32x1024xf32, #tpu.memory_space<hbm>>)
    %add3A_655 = arith.constant 896 : i32
    %add3A_656 = arith.addi %mul3A_2, %add3A_655 : i32
    %dma_start3A_657 = arith.constant 0 : i32
    %dma_start3A_658 = tpu.memref_slice %arg2[%add3A_656, %dma_start3A_657] : memref<32768x1024xf32, #tpu.memory_space<hbm>> -> memref<32x1024xf32, #tpu.memory_space<hbm>>
    %dma_start3A_659 = arith.constant 0 : i32
    %dma_start3A_660 = tpu.memref_slice %arg2[%add3A_656, %dma_start3A_659] : memref<32768x1024xf32, #tpu.memory_space<hbm>> -> memref<32x1024xf32, #tpu.memory_space<hbm>>
    tpu.enqueue_dma source(%dma_start3A_660 : memref<32x1024xf32, #tpu.memory_space<hbm>>) target(%arg4 : memref<32x1024xf32, #tpu.memory_space<vmem>>) target_semaphore(%arg6 : memref<!tpu.dma_semaphore, #tpu.memory_space<semaphore_mem>>)
    %add3A_661 = arith.constant 864 : i32
    %add3A_662 = arith.addi %mul3A_2, %add3A_661 : i32
    %dma_wait3A_663 = arith.constant 0 : i32
    %dma_wait3A_664 = tpu.memref_slice %arg2[%add3A_662, %dma_wait3A_663] : memref<32768x1024xf32, #tpu.memory_space<hbm>> -> memref<32x1024xf32, #tpu.memory_space<hbm>>
    %dma_wait3A_665 = arith.constant 0 : i32
    %dma_wait3A_666 = tpu.memref_slice %arg2[%add3A_662, %dma_wait3A_665] : memref<32768x1024xf32, #tpu.memory_space<hbm>> -> memref<32x1024xf32, #tpu.memory_space<hbm>>
    tpu.wait_dma2 semaphore(%arg7 : memref<!tpu.dma_semaphore, #tpu.memory_space<semaphore_mem>>) src(%dma_wait3A_666 : memref<32x1024xf32, #tpu.memory_space<hbm>>) dst(%arg5 : memref<32x1024xf32, #tpu.memory_space<vmem>>)
    %add3A_667 = arith.constant 864 : i32
    %add3A_668 = arith.addi %mul3A_2, %add3A_667 : i32
    %dma_start3A_669 = arith.constant 0 : i32
    %dma_start3A_670 = tpu.memref_slice %arg3[%add3A_668, %dma_start3A_669] : memref<32768x1024xf32, #tpu.memory_space<hbm>> -> memref<32x1024xf32, #tpu.memory_space<hbm>>
    %dma_start3A_671 = arith.constant 0 : i32
    %dma_start3A_672 = tpu.memref_slice %arg3[%add3A_668, %dma_start3A_671] : memref<32768x1024xf32, #tpu.memory_space<hbm>> -> memref<32x1024xf32, #tpu.memory_space<hbm>>
    tpu.enqueue_dma source(%arg5 : memref<32x1024xf32, #tpu.memory_space<vmem>>) target(%dma_start3A_672 : memref<32x1024xf32, #tpu.memory_space<hbm>>) target_semaphore(%arg9 : memref<!tpu.dma_semaphore, #tpu.memory_space<semaphore_mem>>)
    %add3A_673 = arith.constant 864 : i32
    %add3A_674 = arith.addi %mul3A_2, %add3A_673 : i32
    %dma_wait3A_675 = arith.constant 0 : i32
    %dma_wait3A_676 = tpu.memref_slice %arg3[%add3A_674, %dma_wait3A_675] : memref<32768x1024xf32, #tpu.memory_space<hbm>> -> memref<32x1024xf32, #tpu.memory_space<hbm>>
    %dma_wait3A_677 = arith.constant 0 : i32
    %dma_wait3A_678 = tpu.memref_slice %arg3[%add3A_674, %dma_wait3A_677] : memref<32768x1024xf32, #tpu.memory_space<hbm>> -> memref<32x1024xf32, #tpu.memory_space<hbm>>
    tpu.wait_dma2 semaphore(%arg9 : memref<!tpu.dma_semaphore, #tpu.memory_space<semaphore_mem>>) src(%arg5 : memref<32x1024xf32, #tpu.memory_space<vmem>>) dst(%dma_wait3A_678 : memref<32x1024xf32, #tpu.memory_space<hbm>>)
    %add3A_679 = arith.constant 928 : i32
    %add3A_680 = arith.addi %mul3A_2, %add3A_679 : i32
    %dma_start3A_681 = arith.constant 0 : i32
    %dma_start3A_682 = tpu.memref_slice %arg2[%add3A_680, %dma_start3A_681] : memref<32768x1024xf32, #tpu.memory_space<hbm>> -> memref<32x1024xf32, #tpu.memory_space<hbm>>
    %dma_start3A_683 = arith.constant 0 : i32
    %dma_start3A_684 = tpu.memref_slice %arg2[%add3A_680, %dma_start3A_683] : memref<32768x1024xf32, #tpu.memory_space<hbm>> -> memref<32x1024xf32, #tpu.memory_space<hbm>>
    tpu.enqueue_dma source(%dma_start3A_684 : memref<32x1024xf32, #tpu.memory_space<hbm>>) target(%arg5 : memref<32x1024xf32, #tpu.memory_space<vmem>>) target_semaphore(%arg7 : memref<!tpu.dma_semaphore, #tpu.memory_space<semaphore_mem>>)
    %add3A_685 = arith.constant 896 : i32
    %add3A_686 = arith.addi %mul3A_2, %add3A_685 : i32
    %dma_wait3A_687 = arith.constant 0 : i32
    %dma_wait3A_688 = tpu.memref_slice %arg2[%add3A_686, %dma_wait3A_687] : memref<32768x1024xf32, #tpu.memory_space<hbm>> -> memref<32x1024xf32, #tpu.memory_space<hbm>>
    %dma_wait3A_689 = arith.constant 0 : i32
    %dma_wait3A_690 = tpu.memref_slice %arg2[%add3A_686, %dma_wait3A_689] : memref<32768x1024xf32, #tpu.memory_space<hbm>> -> memref<32x1024xf32, #tpu.memory_space<hbm>>
    tpu.wait_dma2 semaphore(%arg6 : memref<!tpu.dma_semaphore, #tpu.memory_space<semaphore_mem>>) src(%dma_wait3A_690 : memref<32x1024xf32, #tpu.memory_space<hbm>>) dst(%arg4 : memref<32x1024xf32, #tpu.memory_space<vmem>>)
    %add3A_691 = arith.constant 896 : i32
    %add3A_692 = arith.addi %mul3A_2, %add3A_691 : i32
    %dma_start3A_693 = arith.constant 0 : i32
    %dma_start3A_694 = tpu.memref_slice %arg3[%add3A_692, %dma_start3A_693] : memref<32768x1024xf32, #tpu.memory_space<hbm>> -> memref<32x1024xf32, #tpu.memory_space<hbm>>
    %dma_start3A_695 = arith.constant 0 : i32
    %dma_start3A_696 = tpu.memref_slice %arg3[%add3A_692, %dma_start3A_695] : memref<32768x1024xf32, #tpu.memory_space<hbm>> -> memref<32x1024xf32, #tpu.memory_space<hbm>>
    tpu.enqueue_dma source(%arg4 : memref<32x1024xf32, #tpu.memory_space<vmem>>) target(%dma_start3A_696 : memref<32x1024xf32, #tpu.memory_space<hbm>>) target_semaphore(%arg8 : memref<!tpu.dma_semaphore, #tpu.memory_space<semaphore_mem>>)
    %add3A_697 = arith.constant 896 : i32
    %add3A_698 = arith.addi %mul3A_2, %add3A_697 : i32
    %dma_wait3A_699 = arith.constant 0 : i32
    %dma_wait3A_700 = tpu.memref_slice %arg3[%add3A_698, %dma_wait3A_699] : memref<32768x1024xf32, #tpu.memory_space<hbm>> -> memref<32x1024xf32, #tpu.memory_space<hbm>>
    %dma_wait3A_701 = arith.constant 0 : i32
    %dma_wait3A_702 = tpu.memref_slice %arg3[%add3A_698, %dma_wait3A_701] : memref<32768x1024xf32, #tpu.memory_space<hbm>> -> memref<32x1024xf32, #tpu.memory_space<hbm>>
    tpu.wait_dma2 semaphore(%arg8 : memref<!tpu.dma_semaphore, #tpu.memory_space<semaphore_mem>>) src(%arg4 : memref<32x1024xf32, #tpu.memory_space<vmem>>) dst(%dma_wait3A_702 : memref<32x1024xf32, #tpu.memory_space<hbm>>)
    %add3A_703 = arith.constant 960 : i32
    %add3A_704 = arith.addi %mul3A_2, %add3A_703 : i32
    %dma_start3A_705 = arith.constant 0 : i32
    %dma_start3A_706 = tpu.memref_slice %arg2[%add3A_704, %dma_start3A_705] : memref<32768x1024xf32, #tpu.memory_space<hbm>> -> memref<32x1024xf32, #tpu.memory_space<hbm>>
    %dma_start3A_707 = arith.constant 0 : i32
    %dma_start3A_708 = tpu.memref_slice %arg2[%add3A_704, %dma_start3A_707] : memref<32768x1024xf32, #tpu.memory_space<hbm>> -> memref<32x1024xf32, #tpu.memory_space<hbm>>
    tpu.enqueue_dma source(%dma_start3A_708 : memref<32x1024xf32, #tpu.memory_space<hbm>>) target(%arg4 : memref<32x1024xf32, #tpu.memory_space<vmem>>) target_semaphore(%arg6 : memref<!tpu.dma_semaphore, #tpu.memory_space<semaphore_mem>>)
    %add3A_709 = arith.constant 928 : i32
    %add3A_710 = arith.addi %mul3A_2, %add3A_709 : i32
    %dma_wait3A_711 = arith.constant 0 : i32
    %dma_wait3A_712 = tpu.memref_slice %arg2[%add3A_710, %dma_wait3A_711] : memref<32768x1024xf32, #tpu.memory_space<hbm>> -> memref<32x1024xf32, #tpu.memory_space<hbm>>
    %dma_wait3A_713 = arith.constant 0 : i32
    %dma_wait3A_714 = tpu.memref_slice %arg2[%add3A_710, %dma_wait3A_713] : memref<32768x1024xf32, #tpu.memory_space<hbm>> -> memref<32x1024xf32, #tpu.memory_space<hbm>>
    tpu.wait_dma2 semaphore(%arg7 : memref<!tpu.dma_semaphore, #tpu.memory_space<semaphore_mem>>) src(%dma_wait3A_714 : memref<32x1024xf32, #tpu.memory_space<hbm>>) dst(%arg5 : memref<32x1024xf32, #tpu.memory_space<vmem>>)
    %add3A_715 = arith.constant 928 : i32
    %add3A_716 = arith.addi %mul3A_2, %add3A_715 : i32
    %dma_start3A_717 = arith.constant 0 : i32
    %dma_start3A_718 = tpu.memref_slice %arg3[%add3A_716, %dma_start3A_717] : memref<32768x1024xf32, #tpu.memory_space<hbm>> -> memref<32x1024xf32, #tpu.memory_space<hbm>>
    %dma_start3A_719 = arith.constant 0 : i32
    %dma_start3A_720 = tpu.memref_slice %arg3[%add3A_716, %dma_start3A_719] : memref<32768x1024xf32, #tpu.memory_space<hbm>> -> memref<32x1024xf32, #tpu.memory_space<hbm>>
    tpu.enqueue_dma source(%arg5 : memref<32x1024xf32, #tpu.memory_space<vmem>>) target(%dma_start3A_720 : memref<32x1024xf32, #tpu.memory_space<hbm>>) target_semaphore(%arg9 : memref<!tpu.dma_semaphore, #tpu.memory_space<semaphore_mem>>)
    %add3A_721 = arith.constant 928 : i32
    %add3A_722 = arith.addi %mul3A_2, %add3A_721 : i32
    %dma_wait3A_723 = arith.constant 0 : i32
    %dma_wait3A_724 = tpu.memref_slice %arg3[%add3A_722, %dma_wait3A_723] : memref<32768x1024xf32, #tpu.memory_space<hbm>> -> memref<32x1024xf32, #tpu.memory_space<hbm>>
    %dma_wait3A_725 = arith.constant 0 : i32
    %dma_wait3A_726 = tpu.memref_slice %arg3[%add3A_722, %dma_wait3A_725] : memref<32768x1024xf32, #tpu.memory_space<hbm>> -> memref<32x1024xf32, #tpu.memory_space<hbm>>
    tpu.wait_dma2 semaphore(%arg9 : memref<!tpu.dma_semaphore, #tpu.memory_space<semaphore_mem>>) src(%arg5 : memref<32x1024xf32, #tpu.memory_space<vmem>>) dst(%dma_wait3A_726 : memref<32x1024xf32, #tpu.memory_space<hbm>>)
    %add3A_727 = arith.constant 992 : i32
    %add3A_728 = arith.addi %mul3A_2, %add3A_727 : i32
    %dma_start3A_729 = arith.constant 0 : i32
    %dma_start3A_730 = tpu.memref_slice %arg2[%add3A_728, %dma_start3A_729] : memref<32768x1024xf32, #tpu.memory_space<hbm>> -> memref<32x1024xf32, #tpu.memory_space<hbm>>
    %dma_start3A_731 = arith.constant 0 : i32
    %dma_start3A_732 = tpu.memref_slice %arg2[%add3A_728, %dma_start3A_731] : memref<32768x1024xf32, #tpu.memory_space<hbm>> -> memref<32x1024xf32, #tpu.memory_space<hbm>>
    tpu.enqueue_dma source(%dma_start3A_732 : memref<32x1024xf32, #tpu.memory_space<hbm>>) target(%arg5 : memref<32x1024xf32, #tpu.memory_space<vmem>>) target_semaphore(%arg7 : memref<!tpu.dma_semaphore, #tpu.memory_space<semaphore_mem>>)
    %add3A_733 = arith.constant 960 : i32
    %add3A_734 = arith.addi %mul3A_2, %add3A_733 : i32
    %dma_wait3A_735 = arith.constant 0 : i32
    %dma_wait3A_736 = tpu.memref_slice %arg2[%add3A_734, %dma_wait3A_735] : memref<32768x1024xf32, #tpu.memory_space<hbm>> -> memref<32x1024xf32, #tpu.memory_space<hbm>>
    %dma_wait3A_737 = arith.constant 0 : i32
    %dma_wait3A_738 = tpu.memref_slice %arg2[%add3A_734, %dma_wait3A_737] : memref<32768x1024xf32, #tpu.memory_space<hbm>> -> memref<32x1024xf32, #tpu.memory_space<hbm>>
    tpu.wait_dma2 semaphore(%arg6 : memref<!tpu.dma_semaphore, #tpu.memory_space<semaphore_mem>>) src(%dma_wait3A_738 : memref<32x1024xf32, #tpu.memory_space<hbm>>) dst(%arg4 : memref<32x1024xf32, #tpu.memory_space<vmem>>)
    %add3A_739 = arith.constant 960 : i32
    %add3A_740 = arith.addi %mul3A_2, %add3A_739 : i32
    %dma_start3A_741 = arith.constant 0 : i32
    %dma_start3A_742 = tpu.memref_slice %arg3[%add3A_740, %dma_start3A_741] : memref<32768x1024xf32, #tpu.memory_space<hbm>> -> memref<32x1024xf32, #tpu.memory_space<hbm>>
    %dma_start3A_743 = arith.constant 0 : i32
    %dma_start3A_744 = tpu.memref_slice %arg3[%add3A_740, %dma_start3A_743] : memref<32768x1024xf32, #tpu.memory_space<hbm>> -> memref<32x1024xf32, #tpu.memory_space<hbm>>
    tpu.enqueue_dma source(%arg4 : memref<32x1024xf32, #tpu.memory_space<vmem>>) target(%dma_start3A_744 : memref<32x1024xf32, #tpu.memory_space<hbm>>) target_semaphore(%arg8 : memref<!tpu.dma_semaphore, #tpu.memory_space<semaphore_mem>>)
    %add3A_745 = arith.constant 992 : i32
    %add3A_746 = arith.addi %mul3A_2, %add3A_745 : i32
    %dma_wait3A_747 = arith.constant 0 : i32
    %dma_wait3A_748 = tpu.memref_slice %arg2[%add3A_746, %dma_wait3A_747] : memref<32768x1024xf32, #tpu.memory_space<hbm>> -> memref<32x1024xf32, #tpu.memory_space<hbm>>
    %dma_wait3A_749 = arith.constant 0 : i32
    %dma_wait3A_750 = tpu.memref_slice %arg2[%add3A_746, %dma_wait3A_749] : memref<32768x1024xf32, #tpu.memory_space<hbm>> -> memref<32x1024xf32, #tpu.memory_space<hbm>>
    tpu.wait_dma2 semaphore(%arg7 : memref<!tpu.dma_semaphore, #tpu.memory_space<semaphore_mem>>) src(%dma_wait3A_750 : memref<32x1024xf32, #tpu.memory_space<hbm>>) dst(%arg5 : memref<32x1024xf32, #tpu.memory_space<vmem>>)
    %add3A_751 = arith.constant 992 : i32
    %add3A_752 = arith.addi %mul3A_2, %add3A_751 : i32
    %dma_start3A_753 = arith.constant 0 : i32
    %dma_start3A_754 = tpu.memref_slice %arg3[%add3A_752, %dma_start3A_753] : memref<32768x1024xf32, #tpu.memory_space<hbm>> -> memref<32x1024xf32, #tpu.memory_space<hbm>>
    %dma_start3A_755 = arith.constant 0 : i32
    %dma_start3A_756 = tpu.memref_slice %arg3[%add3A_752, %dma_start3A_755] : memref<32768x1024xf32, #tpu.memory_space<hbm>> -> memref<32x1024xf32, #tpu.memory_space<hbm>>
    tpu.enqueue_dma source(%arg5 : memref<32x1024xf32, #tpu.memory_space<vmem>>) target(%dma_start3A_756 : memref<32x1024xf32, #tpu.memory_space<hbm>>) target_semaphore(%arg9 : memref<!tpu.dma_semaphore, #tpu.memory_space<semaphore_mem>>)
    %add3A_757 = arith.constant 960 : i32
    %add3A_758 = arith.addi %mul3A_2, %add3A_757 : i32
    %dma_wait3A_759 = arith.constant 0 : i32
    %dma_wait3A_760 = tpu.memref_slice %arg3[%add3A_758, %dma_wait3A_759] : memref<32768x1024xf32, #tpu.memory_space<hbm>> -> memref<32x1024xf32, #tpu.memory_space<hbm>>
    %dma_wait3A_761 = arith.constant 0 : i32
    %dma_wait3A_762 = tpu.memref_slice %arg3[%add3A_758, %dma_wait3A_761] : memref<32768x1024xf32, #tpu.memory_space<hbm>> -> memref<32x1024xf32, #tpu.memory_space<hbm>>
    tpu.wait_dma2 semaphore(%arg8 : memref<!tpu.dma_semaphore, #tpu.memory_space<semaphore_mem>>) src(%arg4 : memref<32x1024xf32, #tpu.memory_space<vmem>>) dst(%dma_wait3A_762 : memref<32x1024xf32, #tpu.memory_space<hbm>>)
    %add3A_763 = arith.constant 992 : i32
    %add3A_764 = arith.addi %mul3A_2, %add3A_763 : i32
    %dma_wait3A_765 = arith.constant 0 : i32
    %dma_wait3A_766 = tpu.memref_slice %arg3[%add3A_764, %dma_wait3A_765] : memref<32768x1024xf32, #tpu.memory_space<hbm>> -> memref<32x1024xf32, #tpu.memory_space<hbm>>
    %dma_wait3A_767 = arith.constant 0 : i32
    %dma_wait3A_768 = tpu.memref_slice %arg3[%add3A_764, %dma_wait3A_767] : memref<32768x1024xf32, #tpu.memory_space<hbm>> -> memref<32x1024xf32, #tpu.memory_space<hbm>>
    tpu.wait_dma2 semaphore(%arg9 : memref<!tpu.dma_semaphore, #tpu.memory_space<semaphore_mem>>) src(%arg5 : memref<32x1024xf32, #tpu.memory_space<vmem>>) dst(%dma_wait3A_768 : memref<32x1024xf32, #tpu.memory_space<hbm>>)
    return
  }
}

module attributes {stable_mosaic.version = 14 : i64} {
  func.func @_copy_body(%arg0: i32, %arg1: memref<2048x1024xf32, #tpu.memory_space<vmem>>, %arg2: memref<2048x1024xf32, #tpu.memory_space<vmem>>) attributes {dimension_semantics = [#tpu.dimension_semantics<arbitrary>], iteration_bounds = array<i64: 16>, scalar_prefetch = 0 : i64, scratch_operands = 0 : i64, tpu.core_type = #tpu.core_type<tc>, window_params = [{transform_indices = @transform_0, window_bounds = array<i64: 2048, 1024>}, {transform_indices = @transform_1, window_bounds = array<i64: 2048, 1024>}]} {
    %get3A = arith.constant 0 : index
    %get3A_0 = arith.constant 0 : index
    %get3A_1 = vector.load %arg1[%get3A, %get3A_0] : memref<2048x1024xf32, #tpu.memory_space<vmem>>, vector<2048x1024xf32>
    %swap3A = arith.constant 0 : index
    %swap3A_2 = arith.constant 0 : index
    %swap3A_3 = vector.load %arg2[%swap3A, %swap3A_2] : memref<2048x1024xf32, #tpu.memory_space<vmem>>, vector<2048x1024xf32>
    tpu.vector_store %arg2[%swap3A, %swap3A_2], %get3A_1 {strides = array<i32>} : memref<2048x1024xf32, #tpu.memory_space<vmem>>, vector<2048x1024xf32>,
    return
  }
  func.func @transform_0(%arg0: i32) -> (i32, i32) {
    %c0_i32 = arith.constant 0 : i32
    %c0_i32_0 = arith.constant 0 : i32
    return %arg0, %c0_i32 : i32, i32
  }
  func.func @transform_1(%arg0: i32) -> (i32, i32) {
    %c0_i32 = arith.constant 0 : i32
    %c0_i32_0 = arith.constant 0 : i32
    return %arg0, %c0_i32 : i32, i32
  }
}

</mosaic_0001>

<sc_bundles>
// kernel: kernel.4.cloned.1.call-start
scs
__scs_entry_jumppad:
0x0: {  	(pc) =	sbr.rel $0x88, $3  }
0x1: {  	(tag) =	ssettag $0x0;
	lr =	simm.s32 $0x1  }
0x2: {  	[smem:$0x3FA0] =	sst lr;
	_ =	strace $0xD0000000  }
0x3: {  	_ = 	snop  }
0x4: {  	_ = 	snop  }
0x5: {  	_ = 	snop  }
0x6: {  	_ = 	snop  }
0x7: {  	_ = 	snop  }
__scs_overlays_trampoline_lowered:
0x8: {  	[smem:$0x3FAF] =	sst s0  }
0x9: {  	[smem:$0x3FB0] =	sst s1  }
0xa: {  	[smem:$0x3FB1] =	sst s2  }
0xb: {  	[smem:$0x3FB2] =	sst s3  }
0xc: {  	[smem:$0x3FB3] =	sst s4  }
0xd: {  	[smem:$0x3FB4] =	sst s5  }
0xe: {  	[smem:$0x3FB5] =	sst s6  }
0xf: {  	[smem:$0x3FB6] =	sst s7  }
0x10: {  	[smem:$0x3FB7] =	sst s8  }
0x11: {  	[smem:$0x3FB8] =	sst s9;
	s0 =	simm.s32 @!p0 $0x0  }
0x12: {  	s1 =	sld [smem:$0x3F9E];
	s0 =	simm.s32 @p0 $0x1  }
0x13: {  	[smem:$0x3FB9] =	sst s0;
	s0 =	simm.s32 @!p1 $0x0  }
0x14: {  	s2 =	sld [smem:$0x3F9D];
	s0 =	simm.s32 @p1 $0x1  }
0x15: {  	[smem:$0x3FBA] =	sst s0;
	s0 =	simm.s32 @!p2 $0x0  }
0x16: {  	s3 =	sld [smem:$0x3FDB];
	s0 =	simm.s32 @p2 $0x1  }
0x17: {  	s4 =	simm.s32 $0x1BF5;
	[smem:$0x3FBC] =	sst s0  }
0x18: {  	s0 =	sld [smem:$0x3F9F];
	_ =	swait.ge [sflag:s4], $0x0  }
0x19: {  	s7 =	sld [smem:$0x3FA0]  }
0x1a: {  	s8 =	sadd.s32 $0xFFFFE003, lr  }
0x1b: {  	s9 =	sadd.s32 $0xFFFFFEF7, lr;
	s5 =	simm.s32 $0xFFFFFFFF;
	p2 =	slt.u32 s8, $0xFFFFF086  }
0x1c: {  	p1 =	slt.u32 s9, $0xF7A;
	s5 =	simm.s32 @!p2 $0x0  }
0x1d: {  	s5 =	simm.s32 @p1 $0x1;
	p0 =	seq.s32 s7, s2  }
0x1e: {  	s7 =	smul.u32 @!p0 $0xF7A, s2;
	p2 =	seq.s32 @!p0 s5, $0x0  }
0x1f: {  	s9 =	smul.u32 $0xF7A, s1;
	s8 =	simm.s32 @!p0 $0x1BF5;
	p2 =	por !p2, p0  }
0x20: {  	[sflag:s8] =	ssyncset.s32 @!p0 $0xFFFFF086;
	s6 =	sadd.s32 @!p0 s3, s7;
	s7 =	simm.s32 @!p0 $0x108  }
0x21: {  	s3 =	sadd.s32 s3, s9;
	s6 =	sadd.s32 @!p0 $0x88, s6;
	s7 =	simm.s32 @p2 $0x1082  }
0x22: {  	[simem:s7], [sflag:s8] =	dma.local @!p0 [hbm:s6], $0xF7A  }
0x23: {  	s9 =	sor.u32 $0xD0000000, s2;
	s6 =	simm.s32 $0x108;
	_ =	swait.ge @!p0 [sflag:s8], $0x0  }
0x24: {  	s3 =	sadd.s32 $0x88, s3;
	s6 =	simm.s32 @!p1 $0x1082;
	[sflag:s4] =	ssyncset.s32 $0xFFFFF086  }
0x25: {  	[simem:s6], [sflag:s4] =	dma.local [hbm:s3], $0xF7A  }
0x26: {  	[smem:$0x3FA0] =	sst s1;
	(tag) =	ssettag s2;
	_ =	strace s9  }
0x27: {  	s1 =	sld [smem:$0x3FB0]  }
0x28: {  	s2 =	sld [smem:$0x3FB1]  }
0x29: {  	s4 =	sld [smem:$0x3FB3]  }
0x2a: {  	p0 =	seq.s32 s5, $0x0;
	s5 =	sld [smem:$0x3FB4]  }
0x2b: {  	s6 =	sld [smem:$0x3FB5]  }
0x2c: {  	s7 =	sld [smem:$0x3FB6]  }
0x2d: {  	s3 =	simm.s32 $0x108;
	s8 =	sld [smem:$0x3FB7]  }
0x2e: {  	s3 =	simm.s32 @!p0 $0x1082;
	s9 =	sld [smem:$0x3FB8]  }
0x2f: {  	lr =	sadd.s32 s0, s3;
	s0 =	sld [smem:$0x3FAF]  }
0x30: {  	s3 =	sld [smem:$0x3FB2]  }
0x31: {  	[smem:$0x3FBB] =	sst s10  }
0x32: {  	s10 =	sld [smem:$0x3FB9];
	_ =	sdelay $0x3  }
0x33: {  	p0 =	seq.s32 s10, $0x1;
	s10 =	sld [smem:$0x3FBB];
	_ =	sdelay $0x3  }
0x34: {  	[smem:$0x3FBB] =	sst s10  }
0x35: {  	s10 =	sld [smem:$0x3FBA];
	_ =	sdelay $0x3  }
0x36: {  	p1 =	seq.s32 s10, $0x1;
	s10 =	sld [smem:$0x3FBB];
	_ =	sdelay $0x3  }
0x37: {  	[smem:$0x3FBB] =	sst s10  }
0x38: {  	s10 =	sld [smem:$0x3FBC]  }
0x39: {  	_ = 	snop;
	(pc) =	sbr.ind lr, $3  }
0x3a: {  	_ = 	snop  }
0x3b: {  	_ = 	snop  }
0x3c: {  	p2 =	seq.s32 s10, $0x1;
	s10 =	sld [smem:$0x3FBB]  }
0x3d: {  	_ =	shalt  }
0x3e: {  	_ =	shalt  }
0x3f: {  	_ =	shalt  }
0x40: {  	_ =	shalt  }
0x41: {  	_ =	shalt  }
0x42: {  	_ =	shalt  }
0x43: {  	_ =	shalt  }
0x44: {  	_ =	shalt  }
0x45: {  	_ =	shalt  }
0x46: {  	_ =	shalt  }
0x47: {  	_ =	shalt  }
0x48: {  	_ =	shalt  }
0x49: {  	_ =	shalt  }
0x4a: {  	_ =	shalt  }
0x4b: {  	_ =	shalt  }
0x4c: {  	_ =	shalt  }
0x4d: {  	_ =	shalt  }
0x4e: {  	_ =	shalt  }
0x4f: {  	_ =	shalt  }
0x50: {  	_ =	shalt  }
0x51: {  	_ =	shalt  }
0x52: {  	_ =	shalt  }
0x53: {  	_ =	shalt  }
0x54: {  	_ =	shalt  }
0x55: {  	_ =	shalt  }
0x56: {  	_ =	shalt  }
0x57: {  	_ =	shalt  }
0x58: {  	_ =	shalt  }
0x59: {  	_ =	shalt  }
0x5a: {  	_ =	shalt  }
0x5b: {  	_ =	shalt  }
0x5c: {  	_ =	shalt  }
0x5d: {  	_ =	shalt  }
0x5e: {  	_ =	shalt  }
0x5f: {  	_ =	shalt  }
0x60: {  	_ =	shalt  }
0x61: {  	_ =	shalt  }
0x62: {  	_ =	shalt  }
0x63: {  	_ =	shalt  }
0x64: {  	_ =	shalt  }
0x65: {  	_ =	shalt  }
0x66: {  	_ =	shalt  }
0x67: {  	_ =	shalt  }
0x68: {  	_ =	shalt  }
0x69: {  	_ =	shalt  }
0x6a: {  	_ =	shalt  }
0x6b: {  	_ =	shalt  }
0x6c: {  	_ =	shalt  }
0x6d: {  	_ =	shalt  }
0x6e: {  	_ =	shalt  }
0x6f: {  	_ =	shalt  }
0x70: {  	_ =	shalt  }
0x71: {  	_ =	shalt  }
0x72: {  	_ =	shalt  }
0x73: {  	_ =	shalt  }
0x74: {  	_ =	shalt  }
0x75: {  	_ =	shalt  }
0x76: {  	_ =	shalt  }
0x77: {  	_ =	shalt  }
0x78: {  	_ =	shalt  }
0x79: {  	_ =	shalt  }
0x7a: {  	_ =	shalt  }
0x7b: {  	_ =	shalt  }
0x7c: {  	_ =	shalt  }
0x7d: {  	_ =	shalt  }
0x7e: {  	_ =	shalt  }
0x7f: {  	_ =	shalt  }
0x80: {  	_ =	shalt  }
0x81: {  	_ =	shalt  }
0x82: {  	_ =	shalt  }
0x83: {  	_ =	shalt  }
0x84: {  	_ =	shalt  }
0x85: {  	_ =	shalt  }
0x86: {  	_ =	shalt  }
0x87: {  	_ =	shalt  }
.Lfunc_end0:
.L_simem_size_0:
called_computation_lowered:
.L_overlay_start_0:
0x88: {  	s2 =	sld [smem:$0x3FD9]  }
0x89: {  	s3 =	sld [smem:$0x3FFE];
	_ =	sdelay $0x1  }
0x8a: {  	s1 =	srdreg.scid  }
0x8b: {  	s0 =	sand.u32 $0x1, s1  }
0x8c: {  	s15 =	sshll.u32 s0, $0xA;
	s2 =	sadd.s32 s3, s2  }
0x8d: {  	s2 =	sadd.s32 s2, s15  }
0x8e: {  	[smem:$0x3FC7] =	sst s2  }
0x8f: {  	_ = 	snop  }
0x90: {  	s2 =	sld [smem:$0x3FD0];
	_ =	sdelay $0x2  }
0x91: {  	s4 =	simm.s32 $0xA;
	s5 =	simm.s32 $0x10;
	s16 =	sld [smem:$0x3FC9]  }
0x92: {  	[smem:s5], [sflag:s4] =	dma.local [hbm:s2], $0x1  }
0x93: {  	_ =	swait.eq [sflag:s4], $0x1  }
0x94: {  	[sflag:s4] =	ssyncset.done $0x0  }
0x95: {  	[sflag:s4] =	ssyncadd.s32 $0xFFFFFFFF  }
0x96: {  	s17 =	sld [smem:$0x11];
	(tm) =	ssettm $0x1  }
0x97: {  	s18 =	sld [smem:$0x3FFB];
	_ =	sdelay $0x3  }
0x98: {  	_ =	strace s18  }
0x99: {  	s4 =	sld [smem:$0x3FFC];
	_ =	sdelay $0x3  }
0x9a: {  	_ =	strace s4  }
0x9b: {  	s4 =	sld [smem:$0x3FFD];
	_ =	sdelay $0x3  }
0x9c: {  	_ =	strace s4  }
0x9d: {  	_ =	strace $0x8FFFFFFF  }
0x9e: {  	s19 =	sld [smem:$0x3FDB];
	_ =	sdelay $0x1  }
0x9f: {  	s20 =	simm.s32 $_scs_section_size  }
0xa0: {  	s6 =	simm.s32 $_size__tile_overlayer_lowered;
	s7 =	simm.s32 $_tile_overlayer_lowered  }
0xa1: {  	s23 =	simm.s32 $0x1BFF;
	s22 =	sshll.u32 s7, $0x1;
	s4 =	sadd.s32 s20, s19  }
0xa2: {  	s8 =	simm.s32 $0x0;
	s21 =	sshll.u32 s6, $0x1;
	s6 =	sadd.s32 s22, s4  }
0xa3: {  	[timem:s8], [sflag:s23] =	dma.local [hbm:s6], s21  }
0xa4: {  	_ =	swait.ge [sflag:s23], s21  }
0xa5: {  	s5 =	ssub.s32 $0x0, s21;
	[sflag:s23] =	ssyncset.done $0x0  }
0xa6: {  	[sflag:s23] =	ssyncadd.s32 s5;
	_ =	sdelay $0x1  }
0xa7: {  	s24 =	simm.s32 $0x1B8B  }
0xa8: {  	_ =	swait.ge [sflag:s24], $0x1  }
0xa9: {  	[sflag:s24] =	ssyncset.done $0x0  }
0xaa: {  	s25 =	simm.s32 $0x1B8E;
	[sflag:s24] =	ssyncadd.s32 $0xFFFFFFFF  }
0xab: {  	s26 =	simm.s32 $execute0_lowered;
	[smem:$0x3FD2] =	sst s25  }
0xac: {  	s5 =	sshll.u32 s26, $0x1;
	_ =	strace $0x80000046;
	[dreg:$0x1] =	wrdreg $0xFFFFFFFF  }
0xad: {  	s28 =	simm.s32 $_size_execute0_lowered;
	s4 =	sadd.s32 s4, s5;
	[dreg:$0x0] =	wrdreg $0x0  }
0xae: {  	s5 =	sshll.u32 s28, $0x1;
	[dreg:$0x2] =	wrdreg s4  }
0xaf: {  	[dreg:$0x3] =	wrdreg s5  }
0xb0: {  	[dreg:$0x4] =	wrdreg $0xC0  }
0xb1: {  	_ =	task [dreg:s8], $0x5FFFF  }
0xb2: {  	[dreg:$0x1] =	wrdreg $0xFFFFFFFF  }
0xb3: {  	[dreg:$0x0] =	wrdreg $0x60  }
0xb4: {  	[dreg:$0x2] =	wrdreg s16  }
0xb5: {  	[dreg:$0x3] =	wrdreg s17  }
0xb6: {  	[dreg:$0x4] =	wrdreg $0x9  }
0xb7: {  	_ =	task.clear_ibuf [dreg:s8], $0x5FFFF;
	_ =	strace $0x90000046  }
0xb8: {  	s29 =	simm.s32 $0x9;
	_ =	strace $0x80000048  }
0xb9: {  	_ =	swait.ge [sflag:s29], $0x1  }
0xba: {  	[sflag:s29] =	ssyncadd.s32 $0xFFFFFFFF  }
0xbb: {  	_ =	strace $0x90000048  }
0xbc: {  	_ =	sfence  }
0xbd: {  	s30 =	sld [smem:$0x0];
	_ =	sdelay $0x2  }
0xbe: {  	s31 =	sshll.u32 s1, $0xD;
	s1 =	sshrl.u32 s1, $0x2  }
0xbf: {  	s3 =	sand.u32 $0x4000, s31;
	s1 =	sadd.s32 s1, s30  }
0xc0: {  	s0 =	sor.u32 s3, s0;
	s1 =	sshll.u32 s1, $0x11  }
0xc1: {  	s0 =	sor.u32 s1, s0  }
0xc2: {  	s0 =	sadd.s32 $0x8F2B, s0  }
0xc3: {  	[sflag:s0] =	ssyncadd.remote.s32 $0x1  }
0xc4: {  	_ =	sfence.sel $0xFFFF  }
0xc5: {  	[dreg:$0x0] =	wrdreg $0xFFFFFFFF;
	(pc) =	sbr.abs _section_cstart, $3  }
0xc6: {  	[dreg:$0x1] =	wrdreg $0xFFFFFFFF  }
0xc7: {  	_ =	task.clear_ibuf [dreg:s8], $0x2FFFF;
	_ =	strace $0x9FFFFFFF  }
0xc8: {  	(tm) =	ssettm $0x7FFFFFFF  }
0xc9: {  	_ =	shalt  }
tec
execute0_lowered:
.L_overlay_start_1:
0x0: {  	(tag) =	ssettag $0x1  }
0x1: {  	s1 =	srdreg.scid  }
0x2: {  	s3 =	rddreg [dreg:$0x0];
	s4 =	stileid.u32;
	s5 =	sand.u32 $0x1, s1  }
0x3: {  	s2 =	simm.s32 $0x0;
	s7 =	sshll.u32 s4, $0x12;
	s8 =	sshll.u32 s5, $0x11  }
0x4: {  	[smem:$0x7FF] =	sst s2;
	s4 =	sor.u32 s8, s7  }
0x5: {  	s0 =	rddreg [dreg:$0x1];
	_ =	strace $0x80000047;
	s1 =	sadd.s32 s3, s4  }
0x6: {  	s6 =	sor.u32 $0x1000, s4;
	s10 =	sadd.s32 s0, s4;
	[dreg:$0x3] =	wrdreg s1  }
0x7: {  	s7 =	sor.u32 $0x2000, s4;
	s9 =	sadd.s32 s3, s6;
	[dreg:$0x5] =	wrdreg s10  }
0x8: {  	s11 =	sadd.s32 s3, s7;
	[dreg:$0x4] =	wrdreg s9  }
0x9: {  	s13 =	sor.u32 $0x3000, s4;
	s12 =	sadd.s32 s0, s6;
	[dreg:$0x6] =	wrdreg s11  }
0xa: {  	s14 =	sadd.s32 s3, s13;
	[dreg:$0x7] =	wrdreg s12  }
0xb: {  	s16 =	sor.u32 $0x4000, s4;
	s15 =	sadd.s32 s0, s7;
	[dreg:$0x8] =	wrdreg s14  }
0xc: {  	s17 =	sadd.s32 s3, s16;
	[dreg:$0x9] =	wrdreg s15  }
0xd: {  	s19 =	sor.u32 $0x5000, s4;
	s18 =	sadd.s32 s0, s13;
	[dreg:$0xa] =	wrdreg s17  }
0xe: {  	s20 =	sadd.s32 s3, s19;
	[dreg:$0xb] =	wrdreg s18  }
0xf: {  	s22 =	sor.u32 $0x6000, s4;
	s21 =	sadd.s32 s0, s16;
	[dreg:$0xc] =	wrdreg s20  }
0x10: {  	s23 =	sadd.s32 s3, s22;
	[dreg:$0xd] =	wrdreg s21  }
0x11: {  	s25 =	sor.u32 $0x7000, s4;
	s24 =	sadd.s32 s0, s19;
	[dreg:$0xe] =	wrdreg s23  }
0x12: {  	s26 =	sadd.s32 s3, s25;
	[dreg:$0xf] =	wrdreg s24  }
0x13: {  	s7 =	sadd.s32 s0, s22;
	[dreg:$0x10] =	wrdreg s26  }
0x14: {  	s8 =	sor.u32 $0x8000, s4;
	s10 =	sadd.s32 s0, s25;
	[dreg:$0x11] =	wrdreg s7  }
0x15: {  	s13 =	sadd.s32 s0, s8;
	[dreg:$0x13] =	wrdreg s10  }
0x16: {  	[dreg:$0x15] =	wrdreg s13  }
0x17: {  	s9 =	sadd.s32 s3, s8;
	s11 =	sor.u32 $0x9000, s4;
	s1 =	rddreg [dreg:$0x3]  }
0x18: {  	s14 =	sor.u32 $0xA000, s4;
	[dreg:$0x12] =	wrdreg s9;
	s12 =	sadd.s32 s3, s11  }
0x19: {  	s15 =	sadd.s32 s3, s14;
	[dreg:$0x14] =	wrdreg s12  }
0x1a: {  	s17 =	sor.u32 $0xB000, s4;
	s16 =	sadd.s32 s0, s11;
	[dreg:$0x16] =	wrdreg s15  }
0x1b: {  	s18 =	sadd.s32 s3, s17;
	[dreg:$0x17] =	wrdreg s16  }
0x1c: {  	s20 =	sor.u32 $0xC000, s4;
	s19 =	sadd.s32 s0, s14;
	[dreg:$0x18] =	wrdreg s18  }
0x1d: {  	s21 =	sadd.s32 s3, s20;
	[dreg:$0x19] =	wrdreg s19  }
0x1e: {  	s23 =	sor.u32 $0xD000, s4;
	s22 =	sadd.s32 s0, s17;
	[dreg:$0x1a] =	wrdreg s21  }
0x1f: {  	p0 =	por $0x0, $0x0;
	s24 =	sadd.s32 s3, s23;
	[dreg:$0x1b] =	wrdreg s22  }
0x20: {  	s26 =	sor.u32 $0xE000, s4;
	s25 =	sadd.s32 s0, s20;
	[dreg:$0x1c] =	wrdreg s24  }
0x21: {  	s5 =	ssub.s32 $0x2, s5;
	s8 =	sadd.s32 s3, s26;
	[dreg:$0x1d] =	wrdreg s25  }
0x22: {  	s10 =	sor.u32 $0xF000, s4;
	s9 =	sadd.s32 s0, s23;
	[dreg:$0x1e] =	wrdreg s8  }
0x23: {  	s13 =	sor.u32 $0x10000, s4;
	s11 =	sadd.s32 s3, s10;
	[dreg:$0x1f] =	wrdreg s9  }
0x24: {  	s7 =	sor.u32 $0x1E000, s4;
	s14 =	sadd.s32 s3, s13;
	[smem:$0x7F2] =	sst s11  }
0x25: {  	s12 =	sadd.s32 s0, s26;
	[smem:$0x7F4] =	sst s14;
	s15 =	sadd.s32 s0, s10  }
0x26: {  	s16 =	sor.u32 $0x11000, s4;
	s18 =	sadd.s32 s0, s13;
	s19 =	sor.u32 $0x12000, s4  }
0x27: {  	s22 =	sor.u32 $0x13000, s4;
	s25 =	sor.u32 $0x14000, s4;
	s8 =	sshrl.u32 s5, $0x1  }
0x28: {  	s9 =	sor.u32 $0x16000, s4;
	s10 =	sor.u32 $0x17000, s4;
	[smem:$0x7F3] =	sst s12  }
0x29: {  	s11 =	sor.u32 $0x18000, s4;
	s13 =	sor.u32 $0x1A000, s4;
	[smem:$0x7F5] =	sst s15  }
0x2a: {  	s14 =	sor.u32 $0x1B000, s4;
	s17 =	sadd.s32 s3, s16;
	[smem:$0x7F7] =	sst s18  }
0x2b: {  	s20 =	sadd.s32 s3, s19;
	s21 =	sadd.s32 s0, s16;
	s23 =	sadd.s32 s3, s22  }
0x2c: {  	s24 =	sadd.s32 s0, s19;
	s26 =	sadd.s32 s3, s25;
	[smem:$0x7F6] =	sst s17  }
0x2d: {  	s5 =	ssub.s32 s5, s8;
	s6 =	sadd.s32 s0, s22;
	[smem:$0x7F8] =	sst s20  }
0x2e: {  	s8 =	sor.u32 $0x15000, s4;
	s30 =	sadd.s32 s0, s25;
	[smem:$0x7F9] =	sst s21  }
0x2f: {  	s29 =	sadd.s32 s3, s9;
	s25 =	sadd.s32 s0, s9;
	[smem:$0x7FA] =	sst s23  }
0x30: {  	s12 =	sor.u32 $0x19000, s4;
	s15 =	sor.u32 $0x1C000, s4;
	[smem:$0x7FB] =	sst s24  }
0x31: {  	s18 =	sadd.s32 s3, s14;
	s14 =	sadd.s32 s0, s14;
	[smem:$0x7FC] =	sst s26  }
0x32: {  	[smem:$0x7FD] =	sst s6;
	s31 =	sadd.s32 s3, s8;
	s28 =	sadd.s32 s0, s8  }
0x33: {  	s26 =	sadd.s32 s3, s10;
	s24 =	sadd.s32 s3, s11;
	s23 =	sadd.s32 s0, s10  }
0x34: {  	s22 =	sadd.s32 s3, s12;
	s21 =	sadd.s32 s0, s11;
	s20 =	sadd.s32 s3, s13  }
0x35: {  	s19 =	sadd.s32 s0, s12;
	s17 =	sadd.s32 s0, s13;
	s11 =	smax.u32 s5, $0x1  }
0x36: {  	s16 =	sadd.s32 s3, s15;
	s6 =	sor.u32 $0x1D000, s4;
	p1 =	sne.s32 s11, $0x1  }
.Ltmp0:
0x37: {  	s12 =	sadd.s32 s0, s15;
	s10 =	sor.u32 $0x1F000, s4;
	(pc) =	sbr.rel @!p1 .LBB2_3-.Ltmp0, $4  }
0x38: {  	s13 =	sadd.s32 s3, s7;
	s4 =	sadd.s32 s0, s7;
	s7 =	simm.s32 $0x8000  }
0x39: {  	s5 =	simm.s32 $0x4;
	s15 =	sadd.s32 s3, s6;
	s9 =	sadd.s32 s0, s6  }
0x3a: {  	s8 =	sadd.s32 s3, s10;
	s3 =	sadd.s32 s0, s10;
	s0 =	sadd.s32 $0xFFFFFFFF, s11  }
0x3b: {  	s11 =	simm.s32 $0x1;
	s6 =	simm.s32 $0x3;
	s10 =	simm.s32 $0x2  }
0x3c: {  	[smem:$0x7F1] =	sst s0  }
0x3d: {  	[tilespmem:s2], [sflag:$0x1] =	stream.linear.gather [hbm4b:s1+s2], $0x8000, $0x38;
	[tilespmem:$0x10000] =	vst v63  }
0x3e: {  	s0 =	rddreg [dreg:$0x4]  }
0x3f: {  	[tilespmem:s7], [sflag:$0x2] =	stream.linear.gather [hbm4b:s0+s2], $0x8000, $0x38;
	[tilespmem:$0x10000] =	vst v63  }
0x40: {  	_ =	swait.ge [sflag:s11], $0x8000  }
0x41: {  	[sflag:s11] =	ssyncset.done $0x0  }
0x42: {  	s1 =	rddreg [dreg:$0x5];
	[sflag:s11] =	ssyncadd.s32 $0xFFFF8000  }
0x43: {  	[hbm4b:s1+s2] =	stream.linear.scatter [tilespmem:s2], [sflag:$0x3], $0x8000, $0x38;
	[tilespmem:$0x10000] =	vst v63  }
0x44: {  	_ =	swait.ge [sflag:s6], $0x8000  }
0x45: {  	[sflag:s6] =	ssyncset.done $0x0  }
0x46: {  	s1 =	rddreg [dreg:$0x6];
	[sflag:s6] =	ssyncadd.s32 $0xFFFF8000  }
0x47: {  	[tilespmem:s2], [sflag:$0x1] =	stream.linear.gather [hbm4b:s1+s2], $0x8000, $0x38;
	[tilespmem:$0x10000] =	vst v63  }
0x48: {  	_ =	swait.ge [sflag:s10], $0x8000  }
0x49: {  	[sflag:s10] =	ssyncset.done $0x0  }
0x4a: {  	s1 =	rddreg [dreg:$0x7];
	[sflag:s10] =	ssyncadd.s32 $0xFFFF8000  }
0x4b: {  	[hbm4b:s1+s2] =	stream.linear.scatter [tilespmem:s7], [sflag:$0x4], $0x8000, $0x38;
	[tilespmem:$0x10000] =	vst v63  }
0x4c: {  	_ =	swait.ge [sflag:s5], $0x8000  }
0x4d: {  	[sflag:s5] =	ssyncset.done $0x0  }
0x4e: {  	s1 =	rddreg [dreg:$0x8];
	[sflag:s5] =	ssyncadd.s32 $0xFFFF8000  }
0x4f: {  	[tilespmem:s7], [sflag:$0x2] =	stream.linear.gather [hbm4b:s1+s2], $0x8000, $0x38;
	[tilespmem:$0x10000] =	vst v63  }
0x50: {  	_ =	swait.ge [sflag:s11], $0x8000  }
0x51: {  	[sflag:s11] =	ssyncset.done $0x0  }
0x52: {  	s1 =	rddreg [dreg:$0x9];
	[sflag:s11] =	ssyncadd.s32 $0xFFFF8000  }
0x53: {  	[hbm4b:s1+s2] =	stream.linear.scatter [tilespmem:s2], [sflag:$0x3], $0x8000, $0x38;
	[tilespmem:$0x10000] =	vst v63  }
0x54: {  	_ =	swait.ge [sflag:s6], $0x8000  }
0x55: {  	[sflag:s6] =	ssyncset.done $0x0  }
0x56: {  	s1 =	rddreg [dreg:$0xa];
	[sflag:s6] =	ssyncadd.s32 $0xFFFF8000  }
0x57: {  	[tilespmem:s2], [sflag:$0x1] =	stream.linear.gather [hbm4b:s1+s2], $0x8000, $0x38;
	[tilespmem:$0x10000] =	vst v63  }
0x58: {  	_ =	swait.ge [sflag:s10], $0x8000  }
0x59: {  	[sflag:s10] =	ssyncset.done $0x0  }
0x5a: {  	s1 =	rddreg [dreg:$0xb];
	[sflag:s10] =	ssyncadd.s32 $0xFFFF8000  }
0x5b: {  	[hbm4b:s1+s2] =	stream.linear.scatter [tilespmem:s7], [sflag:$0x4], $0x8000, $0x38;
	[tilespmem:$0x10000] =	vst v63  }
0x5c: {  	_ =	swait.ge [sflag:s5], $0x8000  }
0x5d: {  	[sflag:s5] =	ssyncset.done $0x0  }
0x5e: {  	s1 =	rddreg [dreg:$0xc];
	[sflag:s5] =	ssyncadd.s32 $0xFFFF8000  }
0x5f: {  	[tilespmem:s7], [sflag:$0x2] =	stream.linear.gather [hbm4b:s1+s2], $0x8000, $0x38;
	[tilespmem:$0x10000] =	vst v63  }
0x60: {  	_ =	swait.ge [sflag:s11], $0x8000  }
0x61: {  	[sflag:s11] =	ssyncset.done $0x0  }
0x62: {  	s1 =	rddreg [dreg:$0xd];
	[sflag:s11] =	ssyncadd.s32 $0xFFFF8000  }
0x63: {  	[hbm4b:s1+s2] =	stream.linear.scatter [tilespmem:s2], [sflag:$0x3], $0x8000, $0x38;
	[tilespmem:$0x10000] =	vst v63  }
0x64: {  	_ =	swait.ge [sflag:s6], $0x8000  }
0x65: {  	[sflag:s6] =	ssyncset.done $0x0  }
0x66: {  	s1 =	rddreg [dreg:$0xe];
	[sflag:s6] =	ssyncadd.s32 $0xFFFF8000  }
0x67: {  	[tilespmem:s2], [sflag:$0x1] =	stream.linear.gather [hbm4b:s1+s2], $0x8000, $0x38;
	[tilespmem:$0x10000] =	vst v63  }
0x68: {  	_ =	swait.ge [sflag:s10], $0x8000  }
0x69: {  	[sflag:s10] =	ssyncset.done $0x0  }
0x6a: {  	s1 =	rddreg [dreg:$0xf];
	[sflag:s10] =	ssyncadd.s32 $0xFFFF8000  }
0x6b: {  	[hbm4b:s1+s2] =	stream.linear.scatter [tilespmem:s7], [sflag:$0x4], $0x8000, $0x38;
	[tilespmem:$0x10000] =	vst v63  }
0x6c: {  	_ =	swait.ge [sflag:s5], $0x8000  }
0x6d: {  	[sflag:s5] =	ssyncset.done $0x0  }
0x6e: {  	s1 =	rddreg [dreg:$0x10];
	[sflag:s5] =	ssyncadd.s32 $0xFFFF8000  }
0x6f: {  	[tilespmem:s7], [sflag:$0x2] =	stream.linear.gather [hbm4b:s1+s2], $0x8000, $0x38;
	[tilespmem:$0x10000] =	vst v63  }
0x70: {  	_ =	swait.ge [sflag:s11], $0x8000  }
0x71: {  	[sflag:s11] =	ssyncset.done $0x0  }
0x72: {  	s1 =	rddreg [dreg:$0x11];
	[sflag:s11] =	ssyncadd.s32 $0xFFFF8000  }
0x73: {  	[hbm4b:s1+s2] =	stream.linear.scatter [tilespmem:s2], [sflag:$0x3], $0x8000, $0x38;
	[tilespmem:$0x10000] =	vst v63  }
0x74: {  	_ =	swait.ge [sflag:s6], $0x8000  }
0x75: {  	[sflag:s6] =	ssyncset.done $0x0  }
0x76: {  	s1 =	rddreg [dreg:$0x12];
	[sflag:s6] =	ssyncadd.s32 $0xFFFF8000  }
0x77: {  	[tilespmem:s2], [sflag:$0x1] =	stream.linear.gather [hbm4b:s1+s2], $0x8000, $0x38;
	[tilespmem:$0x10000] =	vst v63  }
0x78: {  	_ =	swait.ge [sflag:s10], $0x8000  }
0x79: {  	[sflag:s10] =	ssyncset.done $0x0  }
0x7a: {  	s1 =	rddreg [dreg:$0x13];
	[sflag:s10] =	ssyncadd.s32 $0xFFFF8000  }
0x7b: {  	[hbm4b:s1+s2] =	stream.linear.scatter [tilespmem:s7], [sflag:$0x4], $0x8000, $0x38;
	[tilespmem:$0x10000] =	vst v63  }
0x7c: {  	_ =	swait.ge [sflag:s5], $0x8000  }
0x7d: {  	[sflag:s5] =	ssyncset.done $0x0  }
0x7e: {  	s1 =	rddreg [dreg:$0x14];
	[sflag:s5] =	ssyncadd.s32 $0xFFFF8000  }
0x7f: {  	[tilespmem:s7], [sflag:$0x2] =	stream.linear.gather [hbm4b:s1+s2], $0x8000, $0x38;
	[tilespmem:$0x10000] =	vst v63  }
0x80: {  	_ =	swait.ge [sflag:s11], $0x8000  }
0x81: {  	[sflag:s11] =	ssyncset.done $0x0  }
0x82: {  	s1 =	rddreg [dreg:$0x15];
	[sflag:s11] =	ssyncadd.s32 $0xFFFF8000  }
0x83: {  	[hbm4b:s1+s2] =	stream.linear.scatter [tilespmem:s2], [sflag:$0x3], $0x8000, $0x38;
	[tilespmem:$0x10000] =	vst v63  }
0x84: {  	_ =	swait.ge [sflag:s6], $0x8000  }
0x85: {  	[sflag:s6] =	ssyncset.done $0x0  }
0x86: {  	s1 =	rddreg [dreg:$0x16];
	[sflag:s6] =	ssyncadd.s32 $0xFFFF8000  }
0x87: {  	[tilespmem:s2], [sflag:$0x1] =	stream.linear.gather [hbm4b:s1+s2], $0x8000, $0x38;
	[tilespmem:$0x10000] =	vst v63  }
0x88: {  	_ =	swait.ge [sflag:s10], $0x8000  }
0x89: {  	[sflag:s10] =	ssyncset.done $0x0  }
0x8a: {  	s1 =	rddreg [dreg:$0x17];
	[sflag:s10] =	ssyncadd.s32 $0xFFFF8000  }
0x8b: {  	[hbm4b:s1+s2] =	stream.linear.scatter [tilespmem:s7], [sflag:$0x4], $0x8000, $0x38;
	[tilespmem:$0x10000] =	vst v63  }
0x8c: {  	_ =	swait.ge [sflag:s5], $0x8000  }
0x8d: {  	[sflag:s5] =	ssyncset.done $0x0  }
0x8e: {  	s1 =	rddreg [dreg:$0x18];
	[sflag:s5] =	ssyncadd.s32 $0xFFFF8000  }
0x8f: {  	[tilespmem:s7], [sflag:$0x2] =	stream.linear.gather [hbm4b:s1+s2], $0x8000, $0x38;
	[tilespmem:$0x10000] =	vst v63  }
0x90: {  	_ =	swait.ge [sflag:s11], $0x8000  }
0x91: {  	[sflag:s11] =	ssyncset.done $0x0  }
0x92: {  	s1 =	rddreg [dreg:$0x19];
	[sflag:s11] =	ssyncadd.s32 $0xFFFF8000  }
0x93: {  	[hbm4b:s1+s2] =	stream.linear.scatter [tilespmem:s2], [sflag:$0x3], $0x8000, $0x38;
	[tilespmem:$0x10000] =	vst v63  }
0x94: {  	_ =	swait.ge [sflag:s6], $0x8000  }
0x95: {  	[sflag:s6] =	ssyncset.done $0x0  }
0x96: {  	s1 =	rddreg [dreg:$0x1a];
	[sflag:s6] =	ssyncadd.s32 $0xFFFF8000  }
0x97: {  	[tilespmem:s2], [sflag:$0x1] =	stream.linear.gather [hbm4b:s1+s2], $0x8000, $0x38;
	[tilespmem:$0x10000] =	vst v63  }
0x98: {  	_ =	swait.ge [sflag:s10], $0x8000  }
0x99: {  	[sflag:s10] =	ssyncset.done $0x0  }
0x9a: {  	s1 =	rddreg [dreg:$0x1b];
	[sflag:s10] =	ssyncadd.s32 $0xFFFF8000  }
0x9b: {  	[hbm4b:s1+s2] =	stream.linear.scatter [tilespmem:s7], [sflag:$0x4], $0x8000, $0x38;
	[tilespmem:$0x10000] =	vst v63  }
0x9c: {  	_ =	swait.ge [sflag:s5], $0x8000  }
0x9d: {  	[sflag:s5] =	ssyncset.done $0x0  }
0x9e: {  	s1 =	rddreg [dreg:$0x1c];
	[sflag:s5] =	ssyncadd.s32 $0xFFFF8000  }
0x9f: {  	[tilespmem:s7], [sflag:$0x2] =	stream.linear.gather [hbm4b:s1+s2], $0x8000, $0x38;
	[tilespmem:$0x10000] =	vst v63  }
0xa0: {  	_ =	swait.ge [sflag:s11], $0x8000  }
0xa1: {  	[sflag:s11] =	ssyncset.done $0x0  }
0xa2: {  	s1 =	rddreg [dreg:$0x1d];
	[sflag:s11] =	ssyncadd.s32 $0xFFFF8000  }
0xa3: {  	[hbm4b:s1+s2] =	stream.linear.scatter [tilespmem:s2], [sflag:$0x3], $0x8000, $0x38;
	[tilespmem:$0x10000] =	vst v63  }
0xa4: {  	_ =	swait.ge [sflag:s6], $0x8000  }
0xa5: {  	[sflag:s6] =	ssyncset.done $0x0  }
0xa6: {  	s1 =	rddreg [dreg:$0x1e];
	[sflag:s6] =	ssyncadd.s32 $0xFFFF8000  }
0xa7: {  	[tilespmem:s2], [sflag:$0x1] =	stream.linear.gather [hbm4b:s1+s2], $0x8000, $0x38;
	[tilespmem:$0x10000] =	vst v63  }
0xa8: {  	_ =	swait.ge [sflag:s10], $0x8000  }
0xa9: {  	[sflag:s10] =	ssyncset.done $0x0  }
0xaa: {  	s1 =	rddreg [dreg:$0x1f];
	[sflag:s10] =	ssyncadd.s32 $0xFFFF8000  }
0xab: {  	[hbm4b:s1+s2] =	stream.linear.scatter [tilespmem:s7], [sflag:$0x4], $0x8000, $0x38;
	[tilespmem:$0x10000] =	vst v63  }
0xac: {  	_ =	swait.ge [sflag:s5], $0x8000  }
0xad: {  	s1 =	sld [smem:$0x7F2]  }
0xae: {  	[sflag:s5] =	ssyncset.done $0x0  }
0xaf: {  	[sflag:s5] =	ssyncadd.s32 $0xFFFF8000  }
0xb0: {  	[tilespmem:s7], [sflag:$0x2] =	stream.linear.gather [hbm4b:s1+s2], $0x8000, $0x38;
	[tilespmem:$0x10000] =	vst v63  }
0xb1: {  	_ =	swait.ge [sflag:s11], $0x8000  }
0xb2: {  	s1 =	sld [smem:$0x7F3]  }
0xb3: {  	[sflag:s11] =	ssyncset.done $0x0  }
0xb4: {  	[sflag:s11] =	ssyncadd.s32 $0xFFFF8000  }
0xb5: {  	[hbm4b:s1+s2] =	stream.linear.scatter [tilespmem:s2], [sflag:$0x3], $0x8000, $0x38;
	[tilespmem:$0x10000] =	vst v63  }
0xb6: {  	_ =	swait.ge [sflag:s6], $0x8000  }
0xb7: {  	s1 =	sld [smem:$0x7F4]  }
0xb8: {  	[sflag:s6] =	ssyncset.done $0x0  }
0xb9: {  	[sflag:s6] =	ssyncadd.s32 $0xFFFF8000  }
0xba: {  	[tilespmem:s2], [sflag:$0x1] =	stream.linear.gather [hbm4b:s1+s2], $0x8000, $0x38;
	[tilespmem:$0x10000] =	vst v63  }
0xbb: {  	_ =	swait.ge [sflag:s10], $0x8000  }
0xbc: {  	s1 =	sld [smem:$0x7F5]  }
0xbd: {  	[sflag:s10] =	ssyncset.done $0x0  }
0xbe: {  	[sflag:s10] =	ssyncadd.s32 $0xFFFF8000  }
0xbf: {  	[hbm4b:s1+s2] =	stream.linear.scatter [tilespmem:s7], [sflag:$0x4], $0x8000, $0x38;
	[tilespmem:$0x10000] =	vst v63  }
0xc0: {  	_ =	swait.ge [sflag:s5], $0x8000  }
0xc1: {  	s1 =	sld [smem:$0x7F6]  }
0xc2: {  	[sflag:s5] =	ssyncset.done $0x0  }
0xc3: {  	[sflag:s5] =	ssyncadd.s32 $0xFFFF8000  }
0xc4: {  	[tilespmem:s7], [sflag:$0x2] =	stream.linear.gather [hbm4b:s1+s2], $0x8000, $0x38;
	[tilespmem:$0x10000] =	vst v63  }
0xc5: {  	_ =	swait.ge [sflag:s11], $0x8000  }
0xc6: {  	s1 =	sld [smem:$0x7F7]  }
0xc7: {  	[sflag:s11] =	ssyncset.done $0x0  }
0xc8: {  	[sflag:s11] =	ssyncadd.s32 $0xFFFF8000  }
0xc9: {  	[hbm4b:s1+s2] =	stream.linear.scatter [tilespmem:s2], [sflag:$0x3], $0x8000, $0x38;
	[tilespmem:$0x10000] =	vst v63  }
0xca: {  	_ =	swait.ge [sflag:s6], $0x8000  }
0xcb: {  	s1 =	sld [smem:$0x7F8]  }
0xcc: {  	[sflag:s6] =	ssyncset.done $0x0  }
0xcd: {  	[sflag:s6] =	ssyncadd.s32 $0xFFFF8000  }
0xce: {  	[tilespmem:s2], [sflag:$0x1] =	stream.linear.gather [hbm4b:s1+s2], $0x8000, $0x38;
	[tilespmem:$0x10000] =	vst v63  }
0xcf: {  	_ =	swait.ge [sflag:s10], $0x8000  }
0xd0: {  	s1 =	sld [smem:$0x7F9]  }
0xd1: {  	[sflag:s10] =	ssyncset.done $0x0  }
0xd2: {  	[sflag:s10] =	ssyncadd.s32 $0xFFFF8000  }
0xd3: {  	[hbm4b:s1+s2] =	stream.linear.scatter [tilespmem:s7], [sflag:$0x4], $0x8000, $0x38;
	[tilespmem:$0x10000] =	vst v63  }
0xd4: {  	_ =	swait.ge [sflag:s5], $0x8000  }
0xd5: {  	s1 =	sld [smem:$0x7FA]  }
0xd6: {  	[sflag:s5] =	ssyncset.done $0x0  }
0xd7: {  	[sflag:s5] =	ssyncadd.s32 $0xFFFF8000  }
0xd8: {  	[tilespmem:s7], [sflag:$0x2] =	stream.linear.gather [hbm4b:s1+s2], $0x8000, $0x38;
	[tilespmem:$0x10000] =	vst v63  }
0xd9: {  	_ =	swait.ge [sflag:s11], $0x8000  }
0xda: {  	s1 =	sld [smem:$0x7FB]  }
0xdb: {  	[sflag:s11] =	ssyncset.done $0x0  }
0xdc: {  	[sflag:s11] =	ssyncadd.s32 $0xFFFF8000  }
0xdd: {  	[hbm4b:s1+s2] =	stream.linear.scatter [tilespmem:s2], [sflag:$0x3], $0x8000, $0x38;
	[tilespmem:$0x10000] =	vst v63  }
0xde: {  	_ =	swait.ge [sflag:s6], $0x8000  }
0xdf: {  	s1 =	sld [smem:$0x7FC]  }
0xe0: {  	[sflag:s6] =	ssyncset.done $0x0  }
0xe1: {  	[sflag:s6] =	ssyncadd.s32 $0xFFFF8000  }
0xe2: {  	[tilespmem:s2], [sflag:$0x1] =	stream.linear.gather [hbm4b:s1+s2], $0x8000, $0x38;
	[tilespmem:$0x10000] =	vst v63  }
0xe3: {  	_ =	swait.ge [sflag:s10], $0x8000  }
0xe4: {  	s1 =	sld [smem:$0x7FD]  }
0xe5: {  	[sflag:s10] =	ssyncset.done $0x0  }
0xe6: {  	[sflag:s10] =	ssyncadd.s32 $0xFFFF8000  }
0xe7: {  	[hbm4b:s1+s2] =	stream.linear.scatter [tilespmem:s7], [sflag:$0x4], $0x8000, $0x38;
	[tilespmem:$0x10000] =	vst v63  }
0xe8: {  	_ =	swait.ge [sflag:s5], $0x8000  }
0xe9: {  	[sflag:s5] =	ssyncset.done $0x0  }
0xea: {  	[sflag:s5] =	ssyncadd.s32 $0xFFFF8000  }
0xeb: {  	[tilespmem:s7], [sflag:$0x2] =	stream.linear.gather [hbm4b:s31+s2], $0x8000, $0x38;
	[tilespmem:$0x10000] =	vst v63  }
0xec: {  	_ =	swait.ge [sflag:s11], $0x8000  }
0xed: {  	[sflag:s11] =	ssyncset.done $0x0  }
0xee: {  	[sflag:s11] =	ssyncadd.s32 $0xFFFF8000  }
0xef: {  	[hbm4b:s30+s2] =	stream.linear.scatter [tilespmem:s2], [sflag:$0x3], $0x8000, $0x38;
	[tilespmem:$0x10000] =	vst v63  }
0xf0: {  	_ =	swait.ge [sflag:s6], $0x8000  }
0xf1: {  	[sflag:s6] =	ssyncset.done $0x0  }
0xf2: {  	[sflag:s6] =	ssyncadd.s32 $0xFFFF8000  }
0xf3: {  	[tilespmem:s2], [sflag:$0x1] =	stream.linear.gather [hbm4b:s29+s2], $0x8000, $0x38;
	[tilespmem:$0x10000] =	vst v63  }
0xf4: {  	_ =	swait.ge [sflag:s10], $0x8000  }
0xf5: {  	[sflag:s10] =	ssyncset.done $0x0  }
0xf6: {  	[sflag:s10] =	ssyncadd.s32 $0xFFFF8000  }
0xf7: {  	[hbm4b:s28+s2] =	stream.linear.scatter [tilespmem:s7], [sflag:$0x4], $0x8000, $0x38;
	[tilespmem:$0x10000] =	vst v63  }
0xf8: {  	_ =	swait.ge [sflag:s5], $0x8000  }
0xf9: {  	[sflag:s5] =	ssyncset.done $0x0  }
0xfa: {  	[sflag:s5] =	ssyncadd.s32 $0xFFFF8000  }
0xfb: {  	[tilespmem:s7], [sflag:$0x2] =	stream.linear.gather [hbm4b:s26+s2], $0x8000, $0x38;
	[tilespmem:$0x10000] =	vst v63  }
0xfc: {  	_ =	swait.ge [sflag:s11], $0x8000  }
0xfd: {  	[sflag:s11] =	ssyncset.done $0x0  }
0xfe: {  	[sflag:s11] =	ssyncadd.s32 $0xFFFF8000  }
0xff: {  	[hbm4b:s25+s2] =	stream.linear.scatter [tilespmem:s2], [sflag:$0x3], $0x8000, $0x38;
	[tilespmem:$0x10000] =	vst v63  }
0x100: {  	_ =	swait.ge [sflag:s6], $0x8000  }
0x101: {  	[sflag:s6] =	ssyncset.done $0x0  }
0x102: {  	[sflag:s6] =	ssyncadd.s32 $0xFFFF8000  }
0x103: {  	[tilespmem:s2], [sflag:$0x1] =	stream.linear.gather [hbm4b:s24+s2], $0x8000, $0x38;
	[tilespmem:$0x10000] =	vst v63  }
0x104: {  	_ =	swait.ge [sflag:s10], $0x8000  }
0x105: {  	[sflag:s10] =	ssyncset.done $0x0  }
0x106: {  	[sflag:s10] =	ssyncadd.s32 $0xFFFF8000  }
0x107: {  	[hbm4b:s23+s2] =	stream.linear.scatter [tilespmem:s7], [sflag:$0x4], $0x8000, $0x38;
	[tilespmem:$0x10000] =	vst v63  }
0x108: {  	_ =	swait.ge [sflag:s5], $0x8000  }
0x109: {  	[sflag:s5] =	ssyncset.done $0x0  }
0x10a: {  	[sflag:s5] =	ssyncadd.s32 $0xFFFF8000  }
0x10b: {  	[tilespmem:s7], [sflag:$0x2] =	stream.linear.gather [hbm4b:s22+s2], $0x8000, $0x38;
	[tilespmem:$0x10000] =	vst v63  }
0x10c: {  	_ =	swait.ge [sflag:s11], $0x8000  }
0x10d: {  	[sflag:s11] =	ssyncset.done $0x0  }
0x10e: {  	[sflag:s11] =	ssyncadd.s32 $0xFFFF8000  }
0x10f: {  	[hbm4b:s21+s2] =	stream.linear.scatter [tilespmem:s2], [sflag:$0x3], $0x8000, $0x38;
	[tilespmem:$0x10000] =	vst v63  }
0x110: {  	_ =	swait.ge [sflag:s6], $0x8000  }
0x111: {  	[sflag:s6] =	ssyncset.done $0x0  }
0x112: {  	[sflag:s6] =	ssyncadd.s32 $0xFFFF8000  }
0x113: {  	[tilespmem:s2], [sflag:$0x1] =	stream.linear.gather [hbm4b:s20+s2], $0x8000, $0x38;
	[tilespmem:$0x10000] =	vst v63  }
0x114: {  	_ =	swait.ge [sflag:s10], $0x8000  }
0x115: {  	[sflag:s10] =	ssyncset.done $0x0  }
0x116: {  	[sflag:s10] =	ssyncadd.s32 $0xFFFF8000  }
0x117: {  	[hbm4b:s19+s2] =	stream.linear.scatter [tilespmem:s7], [sflag:$0x4], $0x8000, $0x38;
	[tilespmem:$0x10000] =	vst v63  }
0x118: {  	_ =	swait.ge [sflag:s5], $0x8000  }
0x119: {  	[sflag:s5] =	ssyncset.done $0x0  }
0x11a: {  	[sflag:s5] =	ssyncadd.s32 $0xFFFF8000  }
0x11b: {  	[tilespmem:s7], [sflag:$0x2] =	stream.linear.gather [hbm4b:s18+s2], $0x8000, $0x38;
	[tilespmem:$0x10000] =	vst v63  }
0x11c: {  	_ =	swait.ge [sflag:s11], $0x8000  }
0x11d: {  	[sflag:s11] =	ssyncset.done $0x0  }
0x11e: {  	[sflag:s11] =	ssyncadd.s32 $0xFFFF8000  }
0x11f: {  	[hbm4b:s17+s2] =	stream.linear.scatter [tilespmem:s2], [sflag:$0x3], $0x8000, $0x38;
	[tilespmem:$0x10000] =	vst v63  }
0x120: {  	_ =	swait.ge [sflag:s6], $0x8000  }
0x121: {  	[sflag:s6] =	ssyncset.done $0x0  }
0x122: {  	[sflag:s6] =	ssyncadd.s32 $0xFFFF8000  }
0x123: {  	[tilespmem:s2], [sflag:$0x1] =	stream.linear.gather [hbm4b:s16+s2], $0x8000, $0x38;
	[tilespmem:$0x10000] =	vst v63  }
0x124: {  	_ =	swait.ge [sflag:s10], $0x8000  }
0x125: {  	[sflag:s10] =	ssyncset.done $0x0  }
0x126: {  	[sflag:s10] =	ssyncadd.s32 $0xFFFF8000  }
0x127: {  	[hbm4b:s14+s2] =	stream.linear.scatter [tilespmem:s7], [sflag:$0x4], $0x8000, $0x38;
	[tilespmem:$0x10000] =	vst v63  }
0x128: {  	_ =	swait.ge [sflag:s5], $0x8000  }
0x129: {  	[sflag:s5] =	ssyncset.done $0x0  }
0x12a: {  	[sflag:s5] =	ssyncadd.s32 $0xFFFF8000  }
0x12b: {  	[tilespmem:s7], [sflag:$0x2] =	stream.linear.gather [hbm4b:s15+s2], $0x8000, $0x38;
	[tilespmem:$0x10000] =	vst v63  }
0x12c: {  	_ =	swait.ge [sflag:s11], $0x8000  }
0x12d: {  	[sflag:s11] =	ssyncset.done $0x0  }
0x12e: {  	[sflag:s11] =	ssyncadd.s32 $0xFFFF8000  }
0x12f: {  	[hbm4b:s12+s2] =	stream.linear.scatter [tilespmem:s2], [sflag:$0x3], $0x8000, $0x38;
	[tilespmem:$0x10000] =	vst v63  }
0x130: {  	_ =	swait.ge [sflag:s6], $0x8000  }
0x131: {  	[sflag:s6] =	ssyncset.done $0x0  }
0x132: {  	[sflag:s6] =	ssyncadd.s32 $0xFFFF8000  }
0x133: {  	[tilespmem:s2], [sflag:$0x1] =	stream.linear.gather [hbm4b:s13+s2], $0x8000, $0x38;
	[tilespmem:$0x10000] =	vst v63  }
0x134: {  	_ =	swait.ge [sflag:s10], $0x8000  }
0x135: {  	[sflag:s10] =	ssyncset.done $0x0  }
0x136: {  	[sflag:s10] =	ssyncadd.s32 $0xFFFF8000  }
0x137: {  	[hbm4b:s9+s2] =	stream.linear.scatter [tilespmem:s7], [sflag:$0x4], $0x8000, $0x38;
	[tilespmem:$0x10000] =	vst v63  }
0x138: {  	_ =	swait.ge [sflag:s5], $0x8000  }
0x139: {  	[sflag:s5] =	ssyncset.done $0x0  }
0x13a: {  	[sflag:s5] =	ssyncadd.s32 $0xFFFF8000  }
0x13b: {  	[tilespmem:s7], [sflag:$0x2] =	stream.linear.gather [hbm4b:s8+s2], $0x8000, $0x38;
	[tilespmem:$0x10000] =	vst v63  }
0x13c: {  	_ =	swait.ge [sflag:s11], $0x8000  }
0x13d: {  	[sflag:s11] =	ssyncset.done $0x0  }
0x13e: {  	[sflag:s11] =	ssyncadd.s32 $0xFFFF8000  }
0x13f: {  	[hbm4b:s4+s2] =	stream.linear.scatter [tilespmem:s2], [sflag:$0x3], $0x8000, $0x38;
	[tilespmem:$0x10000] =	vst v63  }
0x140: {  	_ =	swait.ge [sflag:s10], $0x8000  }
0x141: {  	[sflag:s10] =	ssyncset.done $0x0  }
0x142: {  	[sflag:s10] =	ssyncadd.s32 $0xFFFF8000  }
0x143: {  	[hbm4b:s3+s2] =	stream.linear.scatter [tilespmem:s7], [sflag:$0x4], $0x8000, $0x38;
	[tilespmem:$0x10000] =	vst v63  }
0x144: {  	_ =	swait.ge [sflag:s6], $0x8000  }
0x145: {  	s1 =	sld [smem:$0x7F1];
	_ =	sdelay $0x2  }
0x146: {  	p1 =	sne.s32 s1, $0x1  }
.Ltmp1:
0x147: {  	_ = 	snop;
	(pc) =	sbr.rel @!p1 .LBB2_3-.Ltmp1, $4  }
0x148: {  	[sflag:s6] =	ssyncset.done $0x0  }
0x149: {  	[sflag:s6] =	ssyncadd.s32 $0xFFFF8000  }
0x14a: {  	p0 =	por $0x1, $0x1;
	_ =	swait.ge [sflag:s5], $0x8000  }
0x14b: {  	s0 =	sadd.s32 $0xFFFFFFFF, s1;
	s1 =	rddreg [dreg:$0x3];
	[sflag:s5] =	ssyncset.done $0x0  }
.LBB2_2:
0x14c: {  	p1 =	sne.s32 s0, $0x1  }
0x14d: {  	s7 =	sadd.s32 $0xFFFFFFFF, s0;
	[sflag:s5] =	ssyncadd.s32 $0xFFFF8000;
	s5 =	simm.s32 $0x8000  }
0x14e: {  	s0 =	smov.u32 s31;
	s31 =	smov.u32 s30;
	s30 =	smov.u32 s29  }
0x14f: {  	s29 =	smov.u32 s28;
	s28 =	smov.u32 s26;
	s26 =	smov.u32 s25  }
0x150: {  	s25 =	smov.u32 s24;
	s24 =	smov.u32 s23;
	s23 =	smov.u32 s22  }
0x151: {  	s22 =	smov.u32 s21;
	s21 =	smov.u32 s20;
	s20 =	smov.u32 s19  }
0x152: {  	s19 =	smov.u32 s18;
	s18 =	smov.u32 s17;
	s17 =	smov.u32 s16  }
0x153: {  	s16 =	smov.u32 s15;
	s15 =	smov.u32 s14;
	s14 =	smov.u32 s13  }
0x154: {  	s13 =	smov.u32 s12;
	s12 =	smov.u32 s9;
	s9 =	smov.u32 s8  }
0x155: {  	[tilespmem:s2], [sflag:$0x1] =	stream.linear.gather [hbm4b:s1+s2], $0x8000, $0x38;
	[tilespmem:$0x10000] =	vst v63  }
0x156: {  	s8 =	smov.u32 s4;
	s4 =	smov.u32 s3;
	s3 =	rddreg [dreg:$0x4]  }
0x157: {  	[tilespmem:s5], [sflag:$0x2] =	stream.linear.gather [hbm4b:s3+s2], $0x8000, $0x38;
	[tilespmem:$0x10000] =	vst v63  }
0x158: {  	s5 =	simm.s32 $0x4;
	s3 =	smov.u32 s4  }
0x159: {  	s4 =	smov.u32 s8;
	s8 =	smov.u32 s9;
	s9 =	smov.u32 s12  }
0x15a: {  	s12 =	smov.u32 s13;
	s13 =	smov.u32 s14;
	s14 =	smov.u32 s15  }
0x15b: {  	s15 =	smov.u32 s16;
	s16 =	smov.u32 s17;
	s17 =	smov.u32 s18  }
0x15c: {  	s18 =	smov.u32 s19;
	s19 =	smov.u32 s20;
	_ =	swait.ge [sflag:s11], $0x8000  }
0x15d: {  	s20 =	smov.u32 s21;
	s21 =	smov.u32 s22;
	[sflag:s11] =	ssyncset.done $0x0  }
0x15e: {  	s22 =	smov.u32 s23;
	s1 =	rddreg [dreg:$0x5];
	[sflag:s11] =	ssyncadd.s32 $0xFFFF8000  }
0x15f: {  	[hbm4b:s1+s2] =	stream.linear.scatter [tilespmem:s2], [sflag:$0x3], $0x8000, $0x38;
	[tilespmem:$0x10000] =	vst v63  }
0x160: {  	s23 =	smov.u32 s24;
	s24 =	smov.u32 s25;
	_ =	swait.ge [sflag:s6], $0x8000  }
0x161: {  	s25 =	smov.u32 s26;
	s26 =	smov.u32 s28;
	[sflag:s6] =	ssyncset.done $0x0  }
0x162: {  	s28 =	smov.u32 s29;
	s1 =	rddreg [dreg:$0x6];
	[sflag:s6] =	ssyncadd.s32 $0xFFFF8000  }
0x163: {  	[tilespmem:s2], [sflag:$0x1] =	stream.linear.gather [hbm4b:s1+s2], $0x8000, $0x38;
	[tilespmem:$0x10000] =	vst v63  }
0x164: {  	s29 =	smov.u32 s30;
	s30 =	smov.u32 s31;
	_ =	swait.ge [sflag:s10], $0x8000  }
0x165: {  	s31 =	smov.u32 s0;
	s0 =	smov.u32 s7;
	[sflag:s10] =	ssyncset.done $0x0  }
0x166: {  	s7 =	simm.s32 $0x8000;
	s1 =	rddreg [dreg:$0x7];
	[sflag:s10] =	ssyncadd.s32 $0xFFFF8000  }
0x167: {  	[hbm4b:s1+s2] =	stream.linear.scatter [tilespmem:s7], [sflag:$0x4], $0x8000, $0x38;
	[tilespmem:$0x10000] =	vst v63  }
0x168: {  	_ =	swait.ge [sflag:s5], $0x8000  }
0x169: {  	[sflag:s5] =	ssyncset.done $0x0  }
0x16a: {  	s1 =	rddreg [dreg:$0x8];
	[sflag:s5] =	ssyncadd.s32 $0xFFFF8000  }
0x16b: {  	[tilespmem:s7], [sflag:$0x2] =	stream.linear.gather [hbm4b:s1+s2], $0x8000, $0x38;
	[tilespmem:$0x10000] =	vst v63  }
0x16c: {  	_ =	swait.ge [sflag:s11], $0x8000  }
0x16d: {  	[sflag:s11] =	ssyncset.done $0x0  }
0x16e: {  	s1 =	rddreg [dreg:$0x9];
	[sflag:s11] =	ssyncadd.s32 $0xFFFF8000  }
0x16f: {  	[hbm4b:s1+s2] =	stream.linear.scatter [tilespmem:s2], [sflag:$0x3], $0x8000, $0x38;
	[tilespmem:$0x10000] =	vst v63  }
0x170: {  	_ =	swait.ge [sflag:s6], $0x8000  }
0x171: {  	[sflag:s6] =	ssyncset.done $0x0  }
0x172: {  	s1 =	rddreg [dreg:$0xa];
	[sflag:s6] =	ssyncadd.s32 $0xFFFF8000  }
0x173: {  	[tilespmem:s2], [sflag:$0x1] =	stream.linear.gather [hbm4b:s1+s2], $0x8000, $0x38;
	[tilespmem:$0x10000] =	vst v63  }
0x174: {  	_ =	swait.ge [sflag:s10], $0x8000  }
0x175: {  	[sflag:s10] =	ssyncset.done $0x0  }
0x176: {  	s1 =	rddreg [dreg:$0xb];
	[sflag:s10] =	ssyncadd.s32 $0xFFFF8000  }
0x177: {  	[hbm4b:s1+s2] =	stream.linear.scatter [tilespmem:s7], [sflag:$0x4], $0x8000, $0x38;
	[tilespmem:$0x10000] =	vst v63  }
0x178: {  	_ =	swait.ge [sflag:s5], $0x8000  }
0x179: {  	[sflag:s5] =	ssyncset.done $0x0  }
0x17a: {  	s1 =	rddreg [dreg:$0xc];
	[sflag:s5] =	ssyncadd.s32 $0xFFFF8000  }
0x17b: {  	[tilespmem:s7], [sflag:$0x2] =	stream.linear.gather [hbm4b:s1+s2], $0x8000, $0x38;
	[tilespmem:$0x10000] =	vst v63  }
0x17c: {  	_ =	swait.ge [sflag:s11], $0x8000  }
0x17d: {  	[sflag:s11] =	ssyncset.done $0x0  }
0x17e: {  	s1 =	rddreg [dreg:$0xd];
	[sflag:s11] =	ssyncadd.s32 $0xFFFF8000  }
0x17f: {  	[hbm4b:s1+s2] =	stream.linear.scatter [tilespmem:s2], [sflag:$0x3], $0x8000, $0x38;
	[tilespmem:$0x10000] =	vst v63  }
0x180: {  	_ =	swait.ge [sflag:s6], $0x8000  }
0x181: {  	[sflag:s6] =	ssyncset.done $0x0  }
0x182: {  	s1 =	rddreg [dreg:$0xe];
	[sflag:s6] =	ssyncadd.s32 $0xFFFF8000  }
0x183: {  	[tilespmem:s2], [sflag:$0x1] =	stream.linear.gather [hbm4b:s1+s2], $0x8000, $0x38;
	[tilespmem:$0x10000] =	vst v63  }
0x184: {  	_ =	swait.ge [sflag:s10], $0x8000  }
0x185: {  	[sflag:s10] =	ssyncset.done $0x0  }
0x186: {  	s1 =	rddreg [dreg:$0xf];
	[sflag:s10] =	ssyncadd.s32 $0xFFFF8000  }
0x187: {  	[hbm4b:s1+s2] =	stream.linear.scatter [tilespmem:s7], [sflag:$0x4], $0x8000, $0x38;
	[tilespmem:$0x10000] =	vst v63  }
0x188: {  	_ =	swait.ge [sflag:s5], $0x8000  }
0x189: {  	[sflag:s5] =	ssyncset.done $0x0  }
0x18a: {  	s1 =	rddreg [dreg:$0x10];
	[sflag:s5] =	ssyncadd.s32 $0xFFFF8000  }
0x18b: {  	[tilespmem:s7], [sflag:$0x2] =	stream.linear.gather [hbm4b:s1+s2], $0x8000, $0x38;
	[tilespmem:$0x10000] =	vst v63  }
0x18c: {  	_ =	swait.ge [sflag:s11], $0x8000  }
0x18d: {  	[sflag:s11] =	ssyncset.done $0x0  }
0x18e: {  	s1 =	rddreg [dreg:$0x11];
	[sflag:s11] =	ssyncadd.s32 $0xFFFF8000  }
0x18f: {  	[hbm4b:s1+s2] =	stream.linear.scatter [tilespmem:s2], [sflag:$0x3], $0x8000, $0x38;
	[tilespmem:$0x10000] =	vst v63  }
0x190: {  	_ =	swait.ge [sflag:s6], $0x8000  }
0x191: {  	[sflag:s6] =	ssyncset.done $0x0  }
0x192: {  	s1 =	rddreg [dreg:$0x12];
	[sflag:s6] =	ssyncadd.s32 $0xFFFF8000  }
0x193: {  	[tilespmem:s2], [sflag:$0x1] =	stream.linear.gather [hbm4b:s1+s2], $0x8000, $0x38;
	[tilespmem:$0x10000] =	vst v63  }
0x194: {  	_ =	swait.ge [sflag:s10], $0x8000  }
0x195: {  	[sflag:s10] =	ssyncset.done $0x0  }
0x196: {  	s1 =	rddreg [dreg:$0x13];
	[sflag:s10] =	ssyncadd.s32 $0xFFFF8000  }
0x197: {  	[hbm4b:s1+s2] =	stream.linear.scatter [tilespmem:s7], [sflag:$0x4], $0x8000, $0x38;
	[tilespmem:$0x10000] =	vst v63  }
0x198: {  	_ =	swait.ge [sflag:s5], $0x8000  }
0x199: {  	[sflag:s5] =	ssyncset.done $0x0  }
0x19a: {  	s1 =	rddreg [dreg:$0x14];
	[sflag:s5] =	ssyncadd.s32 $0xFFFF8000  }
0x19b: {  	[tilespmem:s7], [sflag:$0x2] =	stream.linear.gather [hbm4b:s1+s2], $0x8000, $0x38;
	[tilespmem:$0x10000] =	vst v63  }
0x19c: {  	_ =	swait.ge [sflag:s11], $0x8000  }
0x19d: {  	[sflag:s11] =	ssyncset.done $0x0  }
0x19e: {  	s1 =	rddreg [dreg:$0x15];
	[sflag:s11] =	ssyncadd.s32 $0xFFFF8000  }
0x19f: {  	[hbm4b:s1+s2] =	stream.linear.scatter [tilespmem:s2], [sflag:$0x3], $0x8000, $0x38;
	[tilespmem:$0x10000] =	vst v63  }
0x1a0: {  	_ =	swait.ge [sflag:s6], $0x8000  }
0x1a1: {  	[sflag:s6] =	ssyncset.done $0x0  }
0x1a2: {  	s1 =	rddreg [dreg:$0x16];
	[sflag:s6] =	ssyncadd.s32 $0xFFFF8000  }
0x1a3: {  	[tilespmem:s2], [sflag:$0x1] =	stream.linear.gather [hbm4b:s1+s2], $0x8000, $0x38;
	[tilespmem:$0x10000] =	vst v63  }
0x1a4: {  	_ =	swait.ge [sflag:s10], $0x8000  }
0x1a5: {  	[sflag:s10] =	ssyncset.done $0x0  }
0x1a6: {  	s1 =	rddreg [dreg:$0x17];
	[sflag:s10] =	ssyncadd.s32 $0xFFFF8000  }
0x1a7: {  	[hbm4b:s1+s2] =	stream.linear.scatter [tilespmem:s7], [sflag:$0x4], $0x8000, $0x38;
	[tilespmem:$0x10000] =	vst v63  }
0x1a8: {  	_ =	swait.ge [sflag:s5], $0x8000  }
0x1a9: {  	[sflag:s5] =	ssyncset.done $0x0  }
0x1aa: {  	s1 =	rddreg [dreg:$0x18];
	[sflag:s5] =	ssyncadd.s32 $0xFFFF8000  }
0x1ab: {  	[tilespmem:s7], [sflag:$0x2] =	stream.linear.gather [hbm4b:s1+s2], $0x8000, $0x38;
	[tilespmem:$0x10000] =	vst v63  }
0x1ac: {  	_ =	swait.ge [sflag:s11], $0x8000  }
0x1ad: {  	[sflag:s11] =	ssyncset.done $0x0  }
0x1ae: {  	s1 =	rddreg [dreg:$0x19];
	[sflag:s11] =	ssyncadd.s32 $0xFFFF8000  }
0x1af: {  	[hbm4b:s1+s2] =	stream.linear.scatter [tilespmem:s2], [sflag:$0x3], $0x8000, $0x38;
	[tilespmem:$0x10000] =	vst v63  }
0x1b0: {  	_ =	swait.ge [sflag:s6], $0x8000  }
0x1b1: {  	[sflag:s6] =	ssyncset.done $0x0  }
0x1b2: {  	s1 =	rddreg [dreg:$0x1a];
	[sflag:s6] =	ssyncadd.s32 $0xFFFF8000  }
0x1b3: {  	[tilespmem:s2], [sflag:$0x1] =	stream.linear.gather [hbm4b:s1+s2], $0x8000, $0x38;
	[tilespmem:$0x10000] =	vst v63  }
0x1b4: {  	_ =	swait.ge [sflag:s10], $0x8000  }
0x1b5: {  	[sflag:s10] =	ssyncset.done $0x0  }
0x1b6: {  	s1 =	rddreg [dreg:$0x1b];
	[sflag:s10] =	ssyncadd.s32 $0xFFFF8000  }
0x1b7: {  	[hbm4b:s1+s2] =	stream.linear.scatter [tilespmem:s7], [sflag:$0x4], $0x8000, $0x38;
	[tilespmem:$0x10000] =	vst v63  }
0x1b8: {  	_ =	swait.ge [sflag:s5], $0x8000  }
0x1b9: {  	[sflag:s5] =	ssyncset.done $0x0  }
0x1ba: {  	s1 =	rddreg [dreg:$0x1c];
	[sflag:s5] =	ssyncadd.s32 $0xFFFF8000  }
0x1bb: {  	[tilespmem:s7], [sflag:$0x2] =	stream.linear.gather [hbm4b:s1+s2], $0x8000, $0x38;
	[tilespmem:$0x10000] =	vst v63  }
0x1bc: {  	_ =	swait.ge [sflag:s11], $0x8000  }
0x1bd: {  	[sflag:s11] =	ssyncset.done $0x0  }
0x1be: {  	s1 =	rddreg [dreg:$0x1d];
	[sflag:s11] =	ssyncadd.s32 $0xFFFF8000  }
0x1bf: {  	[hbm4b:s1+s2] =	stream.linear.scatter [tilespmem:s2], [sflag:$0x3], $0x8000, $0x38;
	[tilespmem:$0x10000] =	vst v63  }
0x1c0: {  	_ =	swait.ge [sflag:s6], $0x8000  }
0x1c1: {  	[sflag:s6] =	ssyncset.done $0x0  }
0x1c2: {  	s1 =	rddreg [dreg:$0x1e];
	[sflag:s6] =	ssyncadd.s32 $0xFFFF8000  }
0x1c3: {  	[tilespmem:s2], [sflag:$0x1] =	stream.linear.gather [hbm4b:s1+s2], $0x8000, $0x38;
	[tilespmem:$0x10000] =	vst v63  }
0x1c4: {  	_ =	swait.ge [sflag:s10], $0x8000  }
0x1c5: {  	[sflag:s10] =	ssyncset.done $0x0  }
0x1c6: {  	s1 =	rddreg [dreg:$0x1f];
	[sflag:s10] =	ssyncadd.s32 $0xFFFF8000  }
0x1c7: {  	[hbm4b:s1+s2] =	stream.linear.scatter [tilespmem:s7], [sflag:$0x4], $0x8000, $0x38;
	[tilespmem:$0x10000] =	vst v63  }
0x1c8: {  	_ =	swait.ge [sflag:s5], $0x8000  }
0x1c9: {  	s1 =	sld [smem:$0x7F2]  }
0x1ca: {  	[sflag:s5] =	ssyncset.done $0x0  }
0x1cb: {  	[sflag:s5] =	ssyncadd.s32 $0xFFFF8000  }
0x1cc: {  	[tilespmem:s7], [sflag:$0x2] =	stream.linear.gather [hbm4b:s1+s2], $0x8000, $0x38;
	[tilespmem:$0x10000] =	vst v63  }
0x1cd: {  	_ =	swait.ge [sflag:s11], $0x8000  }
0x1ce: {  	s1 =	sld [smem:$0x7F3]  }
0x1cf: {  	[sflag:s11] =	ssyncset.done $0x0  }
0x1d0: {  	[sflag:s11] =	ssyncadd.s32 $0xFFFF8000  }
0x1d1: {  	[hbm4b:s1+s2] =	stream.linear.scatter [tilespmem:s2], [sflag:$0x3], $0x8000, $0x38;
	[tilespmem:$0x10000] =	vst v63  }
0x1d2: {  	_ =	swait.ge [sflag:s6], $0x8000  }
0x1d3: {  	s1 =	sld [smem:$0x7F4]  }
0x1d4: {  	[sflag:s6] =	ssyncset.done $0x0  }
0x1d5: {  	[sflag:s6] =	ssyncadd.s32 $0xFFFF8000  }
0x1d6: {  	[tilespmem:s2], [sflag:$0x1] =	stream.linear.gather [hbm4b:s1+s2], $0x8000, $0x38;
	[tilespmem:$0x10000] =	vst v63  }
0x1d7: {  	_ =	swait.ge [sflag:s10], $0x8000  }
0x1d8: {  	s1 =	sld [smem:$0x7F5]  }
0x1d9: {  	[sflag:s10] =	ssyncset.done $0x0  }
0x1da: {  	[sflag:s10] =	ssyncadd.s32 $0xFFFF8000  }
0x1db: {  	[hbm4b:s1+s2] =	stream.linear.scatter [tilespmem:s7], [sflag:$0x4], $0x8000, $0x38;
	[tilespmem:$0x10000] =	vst v63  }
0x1dc: {  	_ =	swait.ge [sflag:s5], $0x8000  }
0x1dd: {  	s1 =	sld [smem:$0x7F6]  }
0x1de: {  	[sflag:s5] =	ssyncset.done $0x0  }
0x1df: {  	[sflag:s5] =	ssyncadd.s32 $0xFFFF8000  }
0x1e0: {  	[tilespmem:s7], [sflag:$0x2] =	stream.linear.gather [hbm4b:s1+s2], $0x8000, $0x38;
	[tilespmem:$0x10000] =	vst v63  }
0x1e1: {  	_ =	swait.ge [sflag:s11], $0x8000  }
0x1e2: {  	s1 =	sld [smem:$0x7F7]  }
0x1e3: {  	[sflag:s11] =	ssyncset.done $0x0  }
0x1e4: {  	[sflag:s11] =	ssyncadd.s32 $0xFFFF8000  }
0x1e5: {  	[hbm4b:s1+s2] =	stream.linear.scatter [tilespmem:s2], [sflag:$0x3], $0x8000, $0x38;
	[tilespmem:$0x10000] =	vst v63  }
0x1e6: {  	_ =	swait.ge [sflag:s6], $0x8000  }
0x1e7: {  	s1 =	sld [smem:$0x7F8]  }
0x1e8: {  	[sflag:s6] =	ssyncset.done $0x0  }
0x1e9: {  	[sflag:s6] =	ssyncadd.s32 $0xFFFF8000  }
0x1ea: {  	[tilespmem:s2], [sflag:$0x1] =	stream.linear.gather [hbm4b:s1+s2], $0x8000, $0x38;
	[tilespmem:$0x10000] =	vst v63  }
0x1eb: {  	_ =	swait.ge [sflag:s10], $0x8000  }
0x1ec: {  	s1 =	sld [smem:$0x7F9]  }
0x1ed: {  	[sflag:s10] =	ssyncset.done $0x0  }
0x1ee: {  	[sflag:s10] =	ssyncadd.s32 $0xFFFF8000  }
0x1ef: {  	[hbm4b:s1+s2] =	stream.linear.scatter [tilespmem:s7], [sflag:$0x4], $0x8000, $0x38;
	[tilespmem:$0x10000] =	vst v63  }
0x1f0: {  	_ =	swait.ge [sflag:s5], $0x8000  }
0x1f1: {  	s1 =	sld [smem:$0x7FA]  }
0x1f2: {  	[sflag:s5] =	ssyncset.done $0x0  }
0x1f3: {  	[sflag:s5] =	ssyncadd.s32 $0xFFFF8000  }
0x1f4: {  	[tilespmem:s7], [sflag:$0x2] =	stream.linear.gather [hbm4b:s1+s2], $0x8000, $0x38;
	[tilespmem:$0x10000] =	vst v63  }
0x1f5: {  	_ =	swait.ge [sflag:s11], $0x8000  }
0x1f6: {  	s1 =	sld [smem:$0x7FB]  }
0x1f7: {  	[sflag:s11] =	ssyncset.done $0x0  }
0x1f8: {  	[sflag:s11] =	ssyncadd.s32 $0xFFFF8000  }
0x1f9: {  	[hbm4b:s1+s2] =	stream.linear.scatter [tilespmem:s2], [sflag:$0x3], $0x8000, $0x38;
	[tilespmem:$0x10000] =	vst v63  }
0x1fa: {  	_ =	swait.ge [sflag:s6], $0x8000  }
0x1fb: {  	s1 =	sld [smem:$0x7FC]  }
0x1fc: {  	[sflag:s6] =	ssyncset.done $0x0  }
0x1fd: {  	[sflag:s6] =	ssyncadd.s32 $0xFFFF8000  }
0x1fe: {  	[tilespmem:s2], [sflag:$0x1] =	stream.linear.gather [hbm4b:s1+s2], $0x8000, $0x38;
	[tilespmem:$0x10000] =	vst v63  }
0x1ff: {  	_ =	swait.ge [sflag:s10], $0x8000  }
0x200: {  	s1 =	sld [smem:$0x7FD]  }
0x201: {  	[sflag:s10] =	ssyncset.done $0x0  }
0x202: {  	[sflag:s10] =	ssyncadd.s32 $0xFFFF8000  }
0x203: {  	[hbm4b:s1+s2] =	stream.linear.scatter [tilespmem:s7], [sflag:$0x4], $0x8000, $0x38;
	[tilespmem:$0x10000] =	vst v63  }
0x204: {  	_ =	swait.ge [sflag:s5], $0x8000  }
0x205: {  	[sflag:s5] =	ssyncset.done $0x0  }
0x206: {  	[sflag:s5] =	ssyncadd.s32 $0xFFFF8000  }
0x207: {  	[tilespmem:s7], [sflag:$0x2] =	stream.linear.gather [hbm4b:s31+s2], $0x8000, $0x38;
	[tilespmem:$0x10000] =	vst v63  }
0x208: {  	_ =	swait.ge [sflag:s11], $0x8000  }
0x209: {  	[sflag:s11] =	ssyncset.done $0x0  }
0x20a: {  	[sflag:s11] =	ssyncadd.s32 $0xFFFF8000  }
0x20b: {  	[hbm4b:s30+s2] =	stream.linear.scatter [tilespmem:s2], [sflag:$0x3], $0x8000, $0x38;
	[tilespmem:$0x10000] =	vst v63  }
0x20c: {  	_ =	swait.ge [sflag:s6], $0x8000  }
0x20d: {  	[sflag:s6] =	ssyncset.done $0x0  }
0x20e: {  	[sflag:s6] =	ssyncadd.s32 $0xFFFF8000  }
0x20f: {  	[tilespmem:s2], [sflag:$0x1] =	stream.linear.gather [hbm4b:s29+s2], $0x8000, $0x38;
	[tilespmem:$0x10000] =	vst v63  }
0x210: {  	_ =	swait.ge [sflag:s10], $0x8000  }
0x211: {  	[sflag:s10] =	ssyncset.done $0x0  }
0x212: {  	[sflag:s10] =	ssyncadd.s32 $0xFFFF8000  }
0x213: {  	[hbm4b:s28+s2] =	stream.linear.scatter [tilespmem:s7], [sflag:$0x4], $0x8000, $0x38;
	[tilespmem:$0x10000] =	vst v63  }
0x214: {  	_ =	swait.ge [sflag:s5], $0x8000  }
0x215: {  	[sflag:s5] =	ssyncset.done $0x0  }
0x216: {  	[sflag:s5] =	ssyncadd.s32 $0xFFFF8000  }
0x217: {  	[tilespmem:s7], [sflag:$0x2] =	stream.linear.gather [hbm4b:s26+s2], $0x8000, $0x38;
	[tilespmem:$0x10000] =	vst v63  }
0x218: {  	_ =	swait.ge [sflag:s11], $0x8000  }
0x219: {  	[sflag:s11] =	ssyncset.done $0x0  }
0x21a: {  	[sflag:s11] =	ssyncadd.s32 $0xFFFF8000  }
0x21b: {  	[hbm4b:s25+s2] =	stream.linear.scatter [tilespmem:s2], [sflag:$0x3], $0x8000, $0x38;
	[tilespmem:$0x10000] =	vst v63  }
0x21c: {  	_ =	swait.ge [sflag:s6], $0x8000  }
0x21d: {  	[sflag:s6] =	ssyncset.done $0x0  }
0x21e: {  	[sflag:s6] =	ssyncadd.s32 $0xFFFF8000  }
0x21f: {  	[tilespmem:s2], [sflag:$0x1] =	stream.linear.gather [hbm4b:s24+s2], $0x8000, $0x38;
	[tilespmem:$0x10000] =	vst v63  }
0x220: {  	_ =	swait.ge [sflag:s10], $0x8000  }
0x221: {  	[sflag:s10] =	ssyncset.done $0x0  }
0x222: {  	[sflag:s10] =	ssyncadd.s32 $0xFFFF8000  }
0x223: {  	[hbm4b:s23+s2] =	stream.linear.scatter [tilespmem:s7], [sflag:$0x4], $0x8000, $0x38;
	[tilespmem:$0x10000] =	vst v63  }
0x224: {  	_ =	swait.ge [sflag:s5], $0x8000  }
0x225: {  	[sflag:s5] =	ssyncset.done $0x0  }
0x226: {  	[sflag:s5] =	ssyncadd.s32 $0xFFFF8000  }
0x227: {  	[tilespmem:s7], [sflag:$0x2] =	stream.linear.gather [hbm4b:s22+s2], $0x8000, $0x38;
	[tilespmem:$0x10000] =	vst v63  }
0x228: {  	_ =	swait.ge [sflag:s11], $0x8000  }
0x229: {  	[sflag:s11] =	ssyncset.done $0x0  }
0x22a: {  	[sflag:s11] =	ssyncadd.s32 $0xFFFF8000  }
0x22b: {  	[hbm4b:s21+s2] =	stream.linear.scatter [tilespmem:s2], [sflag:$0x3], $0x8000, $0x38;
	[tilespmem:$0x10000] =	vst v63  }
0x22c: {  	_ =	swait.ge [sflag:s6], $0x8000  }
0x22d: {  	[sflag:s6] =	ssyncset.done $0x0  }
0x22e: {  	[sflag:s6] =	ssyncadd.s32 $0xFFFF8000  }
0x22f: {  	[tilespmem:s2], [sflag:$0x1] =	stream.linear.gather [hbm4b:s20+s2], $0x8000, $0x38;
	[tilespmem:$0x10000] =	vst v63  }
0x230: {  	_ =	swait.ge [sflag:s10], $0x8000  }
0x231: {  	[sflag:s10] =	ssyncset.done $0x0  }
0x232: {  	[sflag:s10] =	ssyncadd.s32 $0xFFFF8000  }
0x233: {  	[hbm4b:s19+s2] =	stream.linear.scatter [tilespmem:s7], [sflag:$0x4], $0x8000, $0x38;
	[tilespmem:$0x10000] =	vst v63  }
0x234: {  	_ =	swait.ge [sflag:s5], $0x8000  }
0x235: {  	[sflag:s5] =	ssyncset.done $0x0  }
0x236: {  	[sflag:s5] =	ssyncadd.s32 $0xFFFF8000  }
0x237: {  	[tilespmem:s7], [sflag:$0x2] =	stream.linear.gather [hbm4b:s18+s2], $0x8000, $0x38;
	[tilespmem:$0x10000] =	vst v63  }
0x238: {  	_ =	swait.ge [sflag:s11], $0x8000  }
0x239: {  	[sflag:s11] =	ssyncset.done $0x0  }
0x23a: {  	[sflag:s11] =	ssyncadd.s32 $0xFFFF8000  }
0x23b: {  	[hbm4b:s17+s2] =	stream.linear.scatter [tilespmem:s2], [sflag:$0x3], $0x8000, $0x38;
	[tilespmem:$0x10000] =	vst v63  }
0x23c: {  	_ =	swait.ge [sflag:s6], $0x8000  }
0x23d: {  	[sflag:s6] =	ssyncset.done $0x0  }
0x23e: {  	[sflag:s6] =	ssyncadd.s32 $0xFFFF8000  }
0x23f: {  	[tilespmem:s2], [sflag:$0x1] =	stream.linear.gather [hbm4b:s16+s2], $0x8000, $0x38;
	[tilespmem:$0x10000] =	vst v63  }
0x240: {  	_ =	swait.ge [sflag:s10], $0x8000  }
0x241: {  	[sflag:s10] =	ssyncset.done $0x0  }
0x242: {  	[sflag:s10] =	ssyncadd.s32 $0xFFFF8000  }
0x243: {  	[hbm4b:s14+s2] =	stream.linear.scatter [tilespmem:s7], [sflag:$0x4], $0x8000, $0x38;
	[tilespmem:$0x10000] =	vst v63  }
0x244: {  	_ =	swait.ge [sflag:s5], $0x8000  }
0x245: {  	[sflag:s5] =	ssyncset.done $0x0  }
0x246: {  	[sflag:s5] =	ssyncadd.s32 $0xFFFF8000  }
0x247: {  	[tilespmem:s7], [sflag:$0x2] =	stream.linear.gather [hbm4b:s15+s2], $0x8000, $0x38;
	[tilespmem:$0x10000] =	vst v63  }
0x248: {  	_ =	swait.ge [sflag:s11], $0x8000  }
0x249: {  	[sflag:s11] =	ssyncset.done $0x0  }
0x24a: {  	[sflag:s11] =	ssyncadd.s32 $0xFFFF8000  }
0x24b: {  	[hbm4b:s12+s2] =	stream.linear.scatter [tilespmem:s2], [sflag:$0x3], $0x8000, $0x38;
	[tilespmem:$0x10000] =	vst v63  }
0x24c: {  	_ =	swait.ge [sflag:s6], $0x8000  }
0x24d: {  	[sflag:s6] =	ssyncset.done $0x0  }
0x24e: {  	[sflag:s6] =	ssyncadd.s32 $0xFFFF8000  }
0x24f: {  	[tilespmem:s2], [sflag:$0x1] =	stream.linear.gather [hbm4b:s13+s2], $0x8000, $0x38;
	[tilespmem:$0x10000] =	vst v63  }
0x250: {  	_ =	swait.ge [sflag:s10], $0x8000  }
0x251: {  	[sflag:s10] =	ssyncset.done $0x0  }
0x252: {  	[sflag:s10] =	ssyncadd.s32 $0xFFFF8000  }
0x253: {  	[hbm4b:s9+s2] =	stream.linear.scatter [tilespmem:s7], [sflag:$0x4], $0x8000, $0x38;
	[tilespmem:$0x10000] =	vst v63  }
0x254: {  	_ =	swait.ge [sflag:s5], $0x8000  }
0x255: {  	[sflag:s5] =	ssyncset.done $0x0  }
0x256: {  	[sflag:s5] =	ssyncadd.s32 $0xFFFF8000  }
0x257: {  	[tilespmem:s7], [sflag:$0x2] =	stream.linear.gather [hbm4b:s8+s2], $0x8000, $0x38;
	[tilespmem:$0x10000] =	vst v63  }
0x258: {  	_ =	swait.ge [sflag:s11], $0x8000  }
0x259: {  	[sflag:s11] =	ssyncset.done $0x0  }
0x25a: {  	[sflag:s11] =	ssyncadd.s32 $0xFFFF8000  }
0x25b: {  	[hbm4b:s4+s2] =	stream.linear.scatter [tilespmem:s2], [sflag:$0x3], $0x8000, $0x38;
	[tilespmem:$0x10000] =	vst v63  }
0x25c: {  	_ =	swait.ge [sflag:s10], $0x8000  }
0x25d: {  	[sflag:s10] =	ssyncset.done $0x0  }
0x25e: {  	[sflag:s10] =	ssyncadd.s32 $0xFFFF8000  }
0x25f: {  	[hbm4b:s3+s2] =	stream.linear.scatter [tilespmem:s7], [sflag:$0x4], $0x8000, $0x38;
	[tilespmem:$0x10000] =	vst v63  }
.Ltmp2:
0x260: {  	_ =	swait.ge [sflag:s6], $0x8000;
	(pc) =	sbr.rel @p1 .LBB2_2-.Ltmp2, $4  }
0x261: {  	[sflag:s6] =	ssyncset.done $0x0  }
0x262: {  	[sflag:s6] =	ssyncadd.s32 $0xFFFF8000  }
0x263: {  	_ =	swait.ge [sflag:s5], $0x8000  }
0x264: {  	s1 =	rddreg [dreg:$0x3];
	[sflag:s5] =	ssyncset.done $0x0  }
.LBB2_3:
0x265: {  	[sflag:s5] =	ssyncadd.s32 @p0 $0xFFFF8000  }
0x266: {  	[tilespmem:s2], [sflag:$0x1] =	stream.linear.gather [hbm4b:s1+s2], $0x8000, $0x38;
	[tilespmem:$0x10000] =	vst v63  }
0x267: {  	s0 =	rddreg [dreg:$0x4]  }
0x268: {  	[tilespmem:s7], [sflag:$0x2] =	stream.linear.gather [hbm4b:s0+s2], $0x8000, $0x38;
	[tilespmem:$0x10000] =	vst v63  }
0x269: {  	_ =	swait.ge [sflag:s11], $0x8000  }
0x26a: {  	[sflag:s11] =	ssyncset.done $0x0  }
0x26b: {  	s1 =	rddreg [dreg:$0x5];
	[sflag:s11] =	ssyncadd.s32 $0xFFFF8000  }
0x26c: {  	[hbm4b:s1+s2] =	stream.linear.scatter [tilespmem:s2], [sflag:$0x3], $0x8000, $0x38;
	[tilespmem:$0x10000] =	vst v63  }
0x26d: {  	_ =	swait.ge [sflag:s6], $0x8000  }
0x26e: {  	[sflag:s6] =	ssyncset.done $0x0  }
0x26f: {  	s1 =	rddreg [dreg:$0x6];
	[sflag:s6] =	ssyncadd.s32 $0xFFFF8000  }
0x270: {  	[tilespmem:s2], [sflag:$0x1] =	stream.linear.gather [hbm4b:s1+s2], $0x8000, $0x38;
	[tilespmem:$0x10000] =	vst v63  }
0x271: {  	_ =	swait.ge [sflag:s10], $0x8000  }
0x272: {  	[sflag:s10] =	ssyncset.done $0x0  }
0x273: {  	s1 =	rddreg [dreg:$0x7];
	[sflag:s10] =	ssyncadd.s32 $0xFFFF8000  }
0x274: {  	[hbm4b:s1+s2] =	stream.linear.scatter [tilespmem:s7], [sflag:$0x4], $0x8000, $0x38;
	[tilespmem:$0x10000] =	vst v63  }
0x275: {  	_ =	swait.ge [sflag:s5], $0x8000  }
0x276: {  	[sflag:s5] =	ssyncset.done $0x0  }
0x277: {  	s1 =	rddreg [dreg:$0x8];
	[sflag:s5] =	ssyncadd.s32 $0xFFFF8000  }
0x278: {  	[tilespmem:s7], [sflag:$0x2] =	stream.linear.gather [hbm4b:s1+s2], $0x8000, $0x38;
	[tilespmem:$0x10000] =	vst v63  }
0x279: {  	_ =	swait.ge [sflag:s11], $0x8000  }
0x27a: {  	[sflag:s11] =	ssyncset.done $0x0  }
0x27b: {  	s1 =	rddreg [dreg:$0x9];
	[sflag:s11] =	ssyncadd.s32 $0xFFFF8000  }
0x27c: {  	[hbm4b:s1+s2] =	stream.linear.scatter [tilespmem:s2], [sflag:$0x3], $0x8000, $0x38;
	[tilespmem:$0x10000] =	vst v63  }
0x27d: {  	_ =	swait.ge [sflag:s6], $0x8000  }
0x27e: {  	[sflag:s6] =	ssyncset.done $0x0  }
0x27f: {  	s1 =	rddreg [dreg:$0xa];
	[sflag:s6] =	ssyncadd.s32 $0xFFFF8000  }
0x280: {  	[tilespmem:s2], [sflag:$0x1] =	stream.linear.gather [hbm4b:s1+s2], $0x8000, $0x38;
	[tilespmem:$0x10000] =	vst v63  }
0x281: {  	_ =	swait.ge [sflag:s10], $0x8000  }
0x282: {  	[sflag:s10] =	ssyncset.done $0x0  }
0x283: {  	s1 =	rddreg [dreg:$0xb];
	[sflag:s10] =	ssyncadd.s32 $0xFFFF8000  }
0x284: {  	[hbm4b:s1+s2] =	stream.linear.scatter [tilespmem:s7], [sflag:$0x4], $0x8000, $0x38;
	[tilespmem:$0x10000] =	vst v63  }
0x285: {  	_ =	swait.ge [sflag:s5], $0x8000  }
0x286: {  	[sflag:s5] =	ssyncset.done $0x0  }
0x287: {  	s1 =	rddreg [dreg:$0xc];
	[sflag:s5] =	ssyncadd.s32 $0xFFFF8000  }
0x288: {  	[tilespmem:s7], [sflag:$0x2] =	stream.linear.gather [hbm4b:s1+s2], $0x8000, $0x38;
	[tilespmem:$0x10000] =	vst v63  }
0x289: {  	_ =	swait.ge [sflag:s11], $0x8000  }
0x28a: {  	[sflag:s11] =	ssyncset.done $0x0  }
0x28b: {  	s1 =	rddreg [dreg:$0xd];
	[sflag:s11] =	ssyncadd.s32 $0xFFFF8000  }
0x28c: {  	[hbm4b:s1+s2] =	stream.linear.scatter [tilespmem:s2], [sflag:$0x3], $0x8000, $0x38;
	[tilespmem:$0x10000] =	vst v63  }
0x28d: {  	_ =	swait.ge [sflag:s6], $0x8000  }
0x28e: {  	[sflag:s6] =	ssyncset.done $0x0  }
0x28f: {  	s1 =	rddreg [dreg:$0xe];
	[sflag:s6] =	ssyncadd.s32 $0xFFFF8000  }
0x290: {  	[tilespmem:s2], [sflag:$0x1] =	stream.linear.gather [hbm4b:s1+s2], $0x8000, $0x38;
	[tilespmem:$0x10000] =	vst v63  }
0x291: {  	_ =	swait.ge [sflag:s10], $0x8000  }
0x292: {  	[sflag:s10] =	ssyncset.done $0x0  }
0x293: {  	s1 =	rddreg [dreg:$0xf];
	[sflag:s10] =	ssyncadd.s32 $0xFFFF8000  }
0x294: {  	[hbm4b:s1+s2] =	stream.linear.scatter [tilespmem:s7], [sflag:$0x4], $0x8000, $0x38;
	[tilespmem:$0x10000] =	vst v63  }
0x295: {  	_ =	swait.ge [sflag:s5], $0x8000  }
0x296: {  	[sflag:s5] =	ssyncset.done $0x0  }
0x297: {  	s1 =	rddreg [dreg:$0x10];
	[sflag:s5] =	ssyncadd.s32 $0xFFFF8000  }
0x298: {  	[tilespmem:s7], [sflag:$0x2] =	stream.linear.gather [hbm4b:s1+s2], $0x8000, $0x38;
	[tilespmem:$0x10000] =	vst v63  }
0x299: {  	_ =	swait.ge [sflag:s11], $0x8000  }
0x29a: {  	[sflag:s11] =	ssyncset.done $0x0  }
0x29b: {  	s1 =	rddreg [dreg:$0x11];
	[sflag:s11] =	ssyncadd.s32 $0xFFFF8000  }
0x29c: {  	[hbm4b:s1+s2] =	stream.linear.scatter [tilespmem:s2], [sflag:$0x3], $0x8000, $0x38;
	[tilespmem:$0x10000] =	vst v63  }
0x29d: {  	_ =	swait.ge [sflag:s6], $0x8000  }
0x29e: {  	[sflag:s6] =	ssyncset.done $0x0  }
0x29f: {  	s1 =	rddreg [dreg:$0x12];
	[sflag:s6] =	ssyncadd.s32 $0xFFFF8000  }
0x2a0: {  	[tilespmem:s2], [sflag:$0x1] =	stream.linear.gather [hbm4b:s1+s2], $0x8000, $0x38;
	[tilespmem:$0x10000] =	vst v63  }
0x2a1: {  	_ =	swait.ge [sflag:s10], $0x8000  }
0x2a2: {  	[sflag:s10] =	ssyncset.done $0x0  }
0x2a3: {  	s1 =	rddreg [dreg:$0x13];
	[sflag:s10] =	ssyncadd.s32 $0xFFFF8000  }
0x2a4: {  	[hbm4b:s1+s2] =	stream.linear.scatter [tilespmem:s7], [sflag:$0x4], $0x8000, $0x38;
	[tilespmem:$0x10000] =	vst v63  }
0x2a5: {  	_ =	swait.ge [sflag:s5], $0x8000  }
0x2a6: {  	[sflag:s5] =	ssyncset.done $0x0  }
0x2a7: {  	s1 =	rddreg [dreg:$0x14];
	[sflag:s5] =	ssyncadd.s32 $0xFFFF8000  }
0x2a8: {  	[tilespmem:s7], [sflag:$0x2] =	stream.linear.gather [hbm4b:s1+s2], $0x8000, $0x38;
	[tilespmem:$0x10000] =	vst v63  }
0x2a9: {  	_ =	swait.ge [sflag:s11], $0x8000  }
0x2aa: {  	[sflag:s11] =	ssyncset.done $0x0  }
0x2ab: {  	s1 =	rddreg [dreg:$0x15];
	[sflag:s11] =	ssyncadd.s32 $0xFFFF8000  }
0x2ac: {  	[hbm4b:s1+s2] =	stream.linear.scatter [tilespmem:s2], [sflag:$0x3], $0x8000, $0x38;
	[tilespmem:$0x10000] =	vst v63  }
0x2ad: {  	_ =	swait.ge [sflag:s6], $0x8000  }
0x2ae: {  	[sflag:s6] =	ssyncset.done $0x0  }
0x2af: {  	s1 =	rddreg [dreg:$0x16];
	[sflag:s6] =	ssyncadd.s32 $0xFFFF8000  }
0x2b0: {  	[tilespmem:s2], [sflag:$0x1] =	stream.linear.gather [hbm4b:s1+s2], $0x8000, $0x38;
	[tilespmem:$0x10000] =	vst v63  }
0x2b1: {  	_ =	swait.ge [sflag:s10], $0x8000  }
0x2b2: {  	[sflag:s10] =	ssyncset.done $0x0  }
0x2b3: {  	s1 =	rddreg [dreg:$0x17];
	[sflag:s10] =	ssyncadd.s32 $0xFFFF8000  }
0x2b4: {  	[hbm4b:s1+s2] =	stream.linear.scatter [tilespmem:s7], [sflag:$0x4], $0x8000, $0x38;
	[tilespmem:$0x10000] =	vst v63  }
0x2b5: {  	_ =	swait.ge [sflag:s5], $0x8000  }
0x2b6: {  	[sflag:s5] =	ssyncset.done $0x0  }
0x2b7: {  	s1 =	rddreg [dreg:$0x18];
	[sflag:s5] =	ssyncadd.s32 $0xFFFF8000  }
0x2b8: {  	[tilespmem:s7], [sflag:$0x2] =	stream.linear.gather [hbm4b:s1+s2], $0x8000, $0x38;
	[tilespmem:$0x10000] =	vst v63  }
0x2b9: {  	_ =	swait.ge [sflag:s11], $0x8000  }
0x2ba: {  	[sflag:s11] =	ssyncset.done $0x0  }
0x2bb: {  	s1 =	rddreg [dreg:$0x19];
	[sflag:s11] =	ssyncadd.s32 $0xFFFF8000  }
0x2bc: {  	[hbm4b:s1+s2] =	stream.linear.scatter [tilespmem:s2], [sflag:$0x3], $0x8000, $0x38;
	[tilespmem:$0x10000] =	vst v63  }
0x2bd: {  	_ =	swait.ge [sflag:s6], $0x8000  }
0x2be: {  	[sflag:s6] =	ssyncset.done $0x0  }
0x2bf: {  	s1 =	rddreg [dreg:$0x1a];
	[sflag:s6] =	ssyncadd.s32 $0xFFFF8000  }
0x2c0: {  	[tilespmem:s2], [sflag:$0x1] =	stream.linear.gather [hbm4b:s1+s2], $0x8000, $0x38;
	[tilespmem:$0x10000] =	vst v63  }
0x2c1: {  	_ =	swait.ge [sflag:s10], $0x8000  }
0x2c2: {  	[sflag:s10] =	ssyncset.done $0x0  }
0x2c3: {  	s1 =	rddreg [dreg:$0x1b];
	[sflag:s10] =	ssyncadd.s32 $0xFFFF8000  }
0x2c4: {  	[hbm4b:s1+s2] =	stream.linear.scatter [tilespmem:s7], [sflag:$0x4], $0x8000, $0x38;
	[tilespmem:$0x10000] =	vst v63  }
0x2c5: {  	_ =	swait.ge [sflag:s5], $0x8000  }
0x2c6: {  	[sflag:s5] =	ssyncset.done $0x0  }
0x2c7: {  	s1 =	rddreg [dreg:$0x1c];
	[sflag:s5] =	ssyncadd.s32 $0xFFFF8000  }
0x2c8: {  	[tilespmem:s7], [sflag:$0x2] =	stream.linear.gather [hbm4b:s1+s2], $0x8000, $0x38;
	[tilespmem:$0x10000] =	vst v63  }
0x2c9: {  	_ =	swait.ge [sflag:s11], $0x8000  }
0x2ca: {  	[sflag:s11] =	ssyncset.done $0x0  }
0x2cb: {  	s1 =	rddreg [dreg:$0x1d];
	[sflag:s11] =	ssyncadd.s32 $0xFFFF8000  }
0x2cc: {  	[hbm4b:s1+s2] =	stream.linear.scatter [tilespmem:s2], [sflag:$0x3], $0x8000, $0x38;
	[tilespmem:$0x10000] =	vst v63  }
0x2cd: {  	_ =	swait.ge [sflag:s6], $0x8000  }
0x2ce: {  	[sflag:s6] =	ssyncset.done $0x0  }
0x2cf: {  	s1 =	rddreg [dreg:$0x1e];
	[sflag:s6] =	ssyncadd.s32 $0xFFFF8000  }
0x2d0: {  	[tilespmem:s2], [sflag:$0x1] =	stream.linear.gather [hbm4b:s1+s2], $0x8000, $0x38;
	[tilespmem:$0x10000] =	vst v63  }
0x2d1: {  	_ =	swait.ge [sflag:s10], $0x8000  }
0x2d2: {  	[sflag:s10] =	ssyncset.done $0x0  }
0x2d3: {  	s1 =	rddreg [dreg:$0x1f];
	[sflag:s10] =	ssyncadd.s32 $0xFFFF8000  }
0x2d4: {  	[hbm4b:s1+s2] =	stream.linear.scatter [tilespmem:s7], [sflag:$0x4], $0x8000, $0x38;
	[tilespmem:$0x10000] =	vst v63  }
0x2d5: {  	_ =	swait.ge [sflag:s5], $0x8000  }
0x2d6: {  	s1 =	sld [smem:$0x7F2]  }
0x2d7: {  	[sflag:s5] =	ssyncset.done $0x0  }
0x2d8: {  	[sflag:s5] =	ssyncadd.s32 $0xFFFF8000  }
0x2d9: {  	[tilespmem:s7], [sflag:$0x2] =	stream.linear.gather [hbm4b:s1+s2], $0x8000, $0x38;
	[tilespmem:$0x10000] =	vst v63  }
0x2da: {  	_ =	swait.ge [sflag:s11], $0x8000  }
0x2db: {  	s1 =	sld [smem:$0x7F3]  }
0x2dc: {  	[sflag:s11] =	ssyncset.done $0x0  }
0x2dd: {  	[sflag:s11] =	ssyncadd.s32 $0xFFFF8000  }
0x2de: {  	[hbm4b:s1+s2] =	stream.linear.scatter [tilespmem:s2], [sflag:$0x3], $0x8000, $0x38;
	[tilespmem:$0x10000] =	vst v63  }
0x2df: {  	_ =	swait.ge [sflag:s6], $0x8000  }
0x2e0: {  	s1 =	sld [smem:$0x7F4]  }
0x2e1: {  	[sflag:s6] =	ssyncset.done $0x0  }
0x2e2: {  	[sflag:s6] =	ssyncadd.s32 $0xFFFF8000  }
0x2e3: {  	[tilespmem:s2], [sflag:$0x1] =	stream.linear.gather [hbm4b:s1+s2], $0x8000, $0x38;
	[tilespmem:$0x10000] =	vst v63  }
0x2e4: {  	_ =	swait.ge [sflag:s10], $0x8000  }
0x2e5: {  	s1 =	sld [smem:$0x7F5]  }
0x2e6: {  	[sflag:s10] =	ssyncset.done $0x0  }
0x2e7: {  	[sflag:s10] =	ssyncadd.s32 $0xFFFF8000  }
0x2e8: {  	[hbm4b:s1+s2] =	stream.linear.scatter [tilespmem:s7], [sflag:$0x4], $0x8000, $0x38;
	[tilespmem:$0x10000] =	vst v63  }
0x2e9: {  	_ =	swait.ge [sflag:s5], $0x8000  }
0x2ea: {  	s1 =	sld [smem:$0x7F6]  }
0x2eb: {  	[sflag:s5] =	ssyncset.done $0x0  }
0x2ec: {  	[sflag:s5] =	ssyncadd.s32 $0xFFFF8000  }
0x2ed: {  	[tilespmem:s7], [sflag:$0x2] =	stream.linear.gather [hbm4b:s1+s2], $0x8000, $0x38;
	[tilespmem:$0x10000] =	vst v63  }
0x2ee: {  	_ =	swait.ge [sflag:s11], $0x8000  }
0x2ef: {  	s1 =	sld [smem:$0x7F7]  }
0x2f0: {  	[sflag:s11] =	ssyncset.done $0x0  }
0x2f1: {  	[sflag:s11] =	ssyncadd.s32 $0xFFFF8000  }
0x2f2: {  	[hbm4b:s1+s2] =	stream.linear.scatter [tilespmem:s2], [sflag:$0x3], $0x8000, $0x38;
	[tilespmem:$0x10000] =	vst v63  }
0x2f3: {  	_ =	swait.ge [sflag:s6], $0x8000  }
0x2f4: {  	s1 =	sld [smem:$0x7F8]  }
0x2f5: {  	[sflag:s6] =	ssyncset.done $0x0  }
0x2f6: {  	[sflag:s6] =	ssyncadd.s32 $0xFFFF8000  }
0x2f7: {  	[tilespmem:s2], [sflag:$0x1] =	stream.linear.gather [hbm4b:s1+s2], $0x8000, $0x38;
	[tilespmem:$0x10000] =	vst v63  }
0x2f8: {  	_ =	swait.ge [sflag:s10], $0x8000  }
0x2f9: {  	s1 =	sld [smem:$0x7F9]  }
0x2fa: {  	[sflag:s10] =	ssyncset.done $0x0  }
0x2fb: {  	[sflag:s10] =	ssyncadd.s32 $0xFFFF8000  }
0x2fc: {  	[hbm4b:s1+s2] =	stream.linear.scatter [tilespmem:s7], [sflag:$0x4], $0x8000, $0x38;
	[tilespmem:$0x10000] =	vst v63  }
0x2fd: {  	_ =	swait.ge [sflag:s5], $0x8000  }
0x2fe: {  	s1 =	sld [smem:$0x7FA]  }
0x2ff: {  	[sflag:s5] =	ssyncset.done $0x0  }
0x300: {  	[sflag:s5] =	ssyncadd.s32 $0xFFFF8000  }
0x301: {  	[tilespmem:s7], [sflag:$0x2] =	stream.linear.gather [hbm4b:s1+s2], $0x8000, $0x38;
	[tilespmem:$0x10000] =	vst v63  }
0x302: {  	_ =	swait.ge [sflag:s11], $0x8000  }
0x303: {  	s1 =	sld [smem:$0x7FB]  }
0x304: {  	[sflag:s11] =	ssyncset.done $0x0  }
0x305: {  	[sflag:s11] =	ssyncadd.s32 $0xFFFF8000  }
0x306: {  	[hbm4b:s1+s2] =	stream.linear.scatter [tilespmem:s2], [sflag:$0x3], $0x8000, $0x38;
	[tilespmem:$0x10000] =	vst v63  }
0x307: {  	_ =	swait.ge [sflag:s6], $0x8000  }
0x308: {  	s1 =	sld [smem:$0x7FC]  }
0x309: {  	[sflag:s6] =	ssyncset.done $0x0  }
0x30a: {  	[sflag:s6] =	ssyncadd.s32 $0xFFFF8000  }
0x30b: {  	[tilespmem:s2], [sflag:$0x1] =	stream.linear.gather [hbm4b:s1+s2], $0x8000, $0x38;
	[tilespmem:$0x10000] =	vst v63  }
0x30c: {  	_ =	swait.ge [sflag:s10], $0x8000  }
0x30d: {  	s1 =	sld [smem:$0x7FD]  }
0x30e: {  	[sflag:s10] =	ssyncset.done $0x0  }
0x30f: {  	[sflag:s10] =	ssyncadd.s32 $0xFFFF8000  }
0x310: {  	[hbm4b:s1+s2] =	stream.linear.scatter [tilespmem:s7], [sflag:$0x4], $0x8000, $0x38;
	[tilespmem:$0x10000] =	vst v63  }
0x311: {  	_ =	swait.ge [sflag:s5], $0x8000  }
0x312: {  	[sflag:s5] =	ssyncset.done $0x0  }
0x313: {  	[sflag:s5] =	ssyncadd.s32 $0xFFFF8000  }
0x314: {  	[tilespmem:s7], [sflag:$0x2] =	stream.linear.gather [hbm4b:s31+s2], $0x8000, $0x38;
	[tilespmem:$0x10000] =	vst v63  }
0x315: {  	_ =	swait.ge [sflag:s11], $0x8000  }
0x316: {  	[sflag:s11] =	ssyncset.done $0x0  }
0x317: {  	[sflag:s11] =	ssyncadd.s32 $0xFFFF8000  }
0x318: {  	[hbm4b:s30+s2] =	stream.linear.scatter [tilespmem:s2], [sflag:$0x3], $0x8000, $0x38;
	[tilespmem:$0x10000] =	vst v63  }
0x319: {  	_ =	swait.ge [sflag:s6], $0x8000  }
0x31a: {  	[sflag:s6] =	ssyncset.done $0x0  }
0x31b: {  	[sflag:s6] =	ssyncadd.s32 $0xFFFF8000  }
0x31c: {  	[tilespmem:s2], [sflag:$0x1] =	stream.linear.gather [hbm4b:s29+s2], $0x8000, $0x38;
	[tilespmem:$0x10000] =	vst v63  }
0x31d: {  	_ =	swait.ge [sflag:s10], $0x8000  }
0x31e: {  	[sflag:s10] =	ssyncset.done $0x0  }
0x31f: {  	[sflag:s10] =	ssyncadd.s32 $0xFFFF8000  }
0x320: {  	[hbm4b:s28+s2] =	stream.linear.scatter [tilespmem:s7], [sflag:$0x4], $0x8000, $0x38;
	[tilespmem:$0x10000] =	vst v63  }
0x321: {  	_ =	swait.ge [sflag:s5], $0x8000  }
0x322: {  	[sflag:s5] =	ssyncset.done $0x0  }
0x323: {  	[sflag:s5] =	ssyncadd.s32 $0xFFFF8000  }
0x324: {  	[tilespmem:s7], [sflag:$0x2] =	stream.linear.gather [hbm4b:s26+s2], $0x8000, $0x38;
	[tilespmem:$0x10000] =	vst v63  }
0x325: {  	_ =	swait.ge [sflag:s11], $0x8000  }
0x326: {  	[sflag:s11] =	ssyncset.done $0x0  }
0x327: {  	[sflag:s11] =	ssyncadd.s32 $0xFFFF8000  }
0x328: {  	[hbm4b:s25+s2] =	stream.linear.scatter [tilespmem:s2], [sflag:$0x3], $0x8000, $0x38;
	[tilespmem:$0x10000] =	vst v63  }
0x329: {  	_ =	swait.ge [sflag:s6], $0x8000  }
0x32a: {  	[sflag:s6] =	ssyncset.done $0x0  }
0x32b: {  	[sflag:s6] =	ssyncadd.s32 $0xFFFF8000  }
0x32c: {  	[tilespmem:s2], [sflag:$0x1] =	stream.linear.gather [hbm4b:s24+s2], $0x8000, $0x38;
	[tilespmem:$0x10000] =	vst v63  }
0x32d: {  	_ =	swait.ge [sflag:s10], $0x8000  }
0x32e: {  	[sflag:s10] =	ssyncset.done $0x0  }
0x32f: {  	[sflag:s10] =	ssyncadd.s32 $0xFFFF8000  }
0x330: {  	[hbm4b:s23+s2] =	stream.linear.scatter [tilespmem:s7], [sflag:$0x4], $0x8000, $0x38;
	[tilespmem:$0x10000] =	vst v63  }
0x331: {  	_ =	swait.ge [sflag:s5], $0x8000  }
0x332: {  	[sflag:s5] =	ssyncset.done $0x0  }
0x333: {  	[sflag:s5] =	ssyncadd.s32 $0xFFFF8000  }
0x334: {  	[tilespmem:s7], [sflag:$0x2] =	stream.linear.gather [hbm4b:s22+s2], $0x8000, $0x38;
	[tilespmem:$0x10000] =	vst v63  }
0x335: {  	_ =	swait.ge [sflag:s11], $0x8000  }
0x336: {  	[sflag:s11] =	ssyncset.done $0x0  }
0x337: {  	[sflag:s11] =	ssyncadd.s32 $0xFFFF8000  }
0x338: {  	[hbm4b:s21+s2] =	stream.linear.scatter [tilespmem:s2], [sflag:$0x3], $0x8000, $0x38;
	[tilespmem:$0x10000] =	vst v63  }
0x339: {  	_ =	swait.ge [sflag:s6], $0x8000  }
0x33a: {  	[sflag:s6] =	ssyncset.done $0x0  }
0x33b: {  	[sflag:s6] =	ssyncadd.s32 $0xFFFF8000  }
0x33c: {  	[tilespmem:s2], [sflag:$0x1] =	stream.linear.gather [hbm4b:s20+s2], $0x8000, $0x38;
	[tilespmem:$0x10000] =	vst v63  }
0x33d: {  	_ =	swait.ge [sflag:s10], $0x8000  }
0x33e: {  	[sflag:s10] =	ssyncset.done $0x0  }
0x33f: {  	[sflag:s10] =	ssyncadd.s32 $0xFFFF8000  }
0x340: {  	[hbm4b:s19+s2] =	stream.linear.scatter [tilespmem:s7], [sflag:$0x4], $0x8000, $0x38;
	[tilespmem:$0x10000] =	vst v63  }
0x341: {  	_ =	swait.ge [sflag:s5], $0x8000  }
0x342: {  	[sflag:s5] =	ssyncset.done $0x0  }
0x343: {  	[sflag:s5] =	ssyncadd.s32 $0xFFFF8000  }
0x344: {  	[tilespmem:s7], [sflag:$0x2] =	stream.linear.gather [hbm4b:s18+s2], $0x8000, $0x38;
	[tilespmem:$0x10000] =	vst v63  }
0x345: {  	_ =	swait.ge [sflag:s11], $0x8000  }
0x346: {  	[sflag:s11] =	ssyncset.done $0x0  }
0x347: {  	[sflag:s11] =	ssyncadd.s32 $0xFFFF8000  }
0x348: {  	[hbm4b:s17+s2] =	stream.linear.scatter [tilespmem:s2], [sflag:$0x3], $0x8000, $0x38;
	[tilespmem:$0x10000] =	vst v63  }
0x349: {  	_ =	swait.ge [sflag:s6], $0x8000  }
0x34a: {  	[sflag:s6] =	ssyncset.done $0x0  }
0x34b: {  	[sflag:s6] =	ssyncadd.s32 $0xFFFF8000  }
0x34c: {  	[tilespmem:s2], [sflag:$0x1] =	stream.linear.gather [hbm4b:s16+s2], $0x8000, $0x38;
	[tilespmem:$0x10000] =	vst v63  }
0x34d: {  	_ =	swait.ge [sflag:s10], $0x8000  }
0x34e: {  	[sflag:s10] =	ssyncset.done $0x0  }
0x34f: {  	[sflag:s10] =	ssyncadd.s32 $0xFFFF8000  }
0x350: {  	[hbm4b:s14+s2] =	stream.linear.scatter [tilespmem:s7], [sflag:$0x4], $0x8000, $0x38;
	[tilespmem:$0x10000] =	vst v63  }
0x351: {  	_ =	swait.ge [sflag:s5], $0x8000  }
0x352: {  	[sflag:s5] =	ssyncset.done $0x0  }
0x353: {  	[sflag:s5] =	ssyncadd.s32 $0xFFFF8000  }
0x354: {  	[tilespmem:s7], [sflag:$0x2] =	stream.linear.gather [hbm4b:s15+s2], $0x8000, $0x38;
	[tilespmem:$0x10000] =	vst v63  }
0x355: {  	_ =	swait.ge [sflag:s11], $0x8000  }
0x356: {  	[sflag:s11] =	ssyncset.done $0x0  }
0x357: {  	[sflag:s11] =	ssyncadd.s32 $0xFFFF8000  }
0x358: {  	[hbm4b:s12+s2] =	stream.linear.scatter [tilespmem:s2], [sflag:$0x3], $0x8000, $0x38;
	[tilespmem:$0x10000] =	vst v63  }
0x359: {  	_ =	swait.ge [sflag:s6], $0x8000  }
0x35a: {  	[sflag:s6] =	ssyncset.done $0x0  }
0x35b: {  	[sflag:s6] =	ssyncadd.s32 $0xFFFF8000  }
0x35c: {  	[tilespmem:s2], [sflag:$0x1] =	stream.linear.gather [hbm4b:s13+s2], $0x8000, $0x38;
	[tilespmem:$0x10000] =	vst v63  }
0x35d: {  	_ =	swait.ge [sflag:s10], $0x8000  }
0x35e: {  	[sflag:s10] =	ssyncset.done $0x0  }
0x35f: {  	[sflag:s10] =	ssyncadd.s32 $0xFFFF8000  }
0x360: {  	[hbm4b:s9+s2] =	stream.linear.scatter [tilespmem:s7], [sflag:$0x4], $0x8000, $0x38;
	[tilespmem:$0x10000] =	vst v63  }
0x361: {  	_ =	swait.ge [sflag:s5], $0x8000  }
0x362: {  	[sflag:s5] =	ssyncset.done $0x0  }
0x363: {  	[sflag:s5] =	ssyncadd.s32 $0xFFFF8000  }
0x364: {  	[tilespmem:s7], [sflag:$0x2] =	stream.linear.gather [hbm4b:s8+s2], $0x8000, $0x38;
	[tilespmem:$0x10000] =	vst v63  }
0x365: {  	_ =	swait.ge [sflag:s11], $0x8000  }
0x366: {  	[sflag:s11] =	ssyncset.done $0x0  }
0x367: {  	[sflag:s11] =	ssyncadd.s32 $0xFFFF8000  }
0x368: {  	[hbm4b:s4+s2] =	stream.linear.scatter [tilespmem:s2], [sflag:$0x3], $0x8000, $0x38;
	[tilespmem:$0x10000] =	vst v63  }
0x369: {  	_ =	swait.ge [sflag:s10], $0x8000  }
0x36a: {  	[sflag:s10] =	ssyncset.done $0x0  }
0x36b: {  	[sflag:s10] =	ssyncadd.s32 $0xFFFF8000  }
0x36c: {  	[hbm4b:s3+s2] =	stream.linear.scatter [tilespmem:s7], [sflag:$0x4], $0x8000, $0x38;
	[tilespmem:$0x10000] =	vst v63  }
0x36d: {  	_ =	swait.ge [sflag:s6], $0x8000  }
0x36e: {  	[sflag:s6] =	ssyncset.done $0x0  }
0x36f: {  	[sflag:s6] =	ssyncadd.s32 $0xFFFF8000  }
0x370: {  	_ =	swait.ge [sflag:s5], $0x8000  }
0x371: {  	[sflag:s5] =	ssyncset.done $0x0  }
0x372: {  	[sflag:s5] =	ssyncadd.s32 $0xFFFF8000  }
0x373: {  	_ =	sfence.sel $0x180000  }
0x374: {  	[bflag:$0x0] =	sbarrier.arrive $0xFFFF  }
0x375: {  	_ =	strace $0x90000047  }
0x376: {  	s31 =	stileid.u32;
	[bflag:$0x2] =	sbarrier.arrive $0xFFFF  }
0x377: {  	p0 =	sne.s32 s31, $0x0;
	s0 =	rddreg [dreg:$0x2]  }
0x378: {  	s0 =	sadd.s32 @!p0 $0x100000, s0  }
0x379: {  	[sflag:s0] =	ssyncadd.tile.s32 @!p0 $0x1;
	_ =	shalt  }
.Lfunc_end2:
_tile_overlayer_lowered:
.L_overlay_start_2:
0x37a: {  	(tag) =	ssettag $0x2  }
0x37b: {  	s0 =	rddreg [dreg:$0x0];
	s2 =	stileid.u32  }
0x37c: {  	s1 =	rddreg [dreg:$0x1];
	p0 =	sne.s32 s2, $0x0  }
0x37d: {  	s3 =	rddreg [dreg:$0x2];
	[bflag:$0x3] =	sbarrier.arrive $0xFFFF;
	s2 =	simm.s32 @!p0 $0x1C05  }
0x37e: {  	[timem:s3], [sflag:s2] =	dma.local @!p0 [hbm:s0], s1  }
0x37f: {  	s0 =	simm.s32 @!p0 $0x5  }
0x380: {  	_ =	swait.ge @!p0 [sflag:s0], s1  }
0x381: {  	s1 =	ssub.s32 @!p0 $0x0, s1;
	[sflag:s0] =	ssyncset.done @!p0 $0x0  }
0x382: {  	[sflag:s0] =	ssyncadd.s32 @!p0 s1  }
0x383: {  	[bflag:$0x3] =	sbarrier.arrive $0xFFFF  }
0x384: {  	_ =	shalt  }

</sc_bundles>
